<compile_context>
chip_gen: v7x
topology: tpu7x:2x2x1
jax: 0.10.2.dev20260603
libtpu: 0.0.44.dev20260713+nightly
codegen_flags: <defaults>
</compile_context>

<pallas_src>
import functools

import jax
import jax.numpy as jnp
from jax import lax
from jax.experimental import pallas as pl
from jax.experimental.pallas import tpu as pltpu
from jax.experimental.pallas import tpu_sc as plsc

EMB_D = 300
A_D = 256
B_OFF = 172
B_D = 128
NUM_WORKERS = 32
CHUNK = 80
XCOLS = 50


def _sc_gather(x, table, table_b):
    n_rows = x.shape[0]
    B = n_rows * XCOLS
    b_per_w = B // NUM_WORKERS
    xrows_per_w = n_rows // NUM_WORKERS
    n_chunks = b_per_w // CHUNK
    mesh = plsc.VectorSubcoreMesh(core_axis_name="c", subcore_axis_name="s")

    @functools.partial(
        pl.kernel,
        mesh=mesh,
        out_type=jax.ShapeDtypeStruct((B, EMB_D), jnp.float32),
        scratch_types=[
            pltpu.VMEM((xrows_per_w, XCOLS), jnp.int32),
            pltpu.VMEM((b_per_w,), jnp.int32),
            pltpu.VMEM((CHUNK, EMB_D), jnp.float32),
            pltpu.VMEM((CHUNK, EMB_D), jnp.float32),
            pltpu.VMEM((CHUNK, B_D), jnp.float32),
            pltpu.VMEM((CHUNK, B_D), jnp.float32),
            pltpu.SemaphoreType.DMA,
            pltpu.SemaphoreType.DMA,
            pltpu.SemaphoreType.DMA,
            pltpu.SemaphoreType.DMA,
        ],
        compiler_params=pltpu.CompilerParams(needs_layout_passes=False),
    )
    def k(x_hbm, t_hbm, tb_hbm, out_hbm, x_v, idx_v,
          ob0, ob1, bb0, bb1, gs0, gs1, ws0, ws1):
        wid = lax.axis_index("s") * 2 + lax.axis_index("c")
        base0 = wid * b_per_w
        pltpu.sync_copy(x_hbm.at[pl.ds(wid * xrows_per_w, xrows_per_w)], x_v)

        cols = lax.iota(jnp.int32, 16)
        ta_hbm = t_hbm.at[:, pl.ds(0, A_D)]

        def crow(r, carry):
            rs = jnp.full((16,), r, jnp.int32)
            for off in (0, 16, 32, 34):
                v = plsc.load_gather(x_v, [rs, cols + off])
                plsc.store_scatter(idx_v, [r * XCOLS + off + cols], v)
            return carry

        lax.fori_loop(0, xrows_per_w, crow, 0)

        def start_gather(g, obuf, bbuf, gsem):
            isl = idx_v.at[pl.ds(g * CHUNK, CHUNK)]
            pltpu.async_copy(ta_hbm.at[isl], obuf.at[:, pl.ds(0, A_D)], gsem)
            pltpu.async_copy(tb_hbm.at[isl], bbuf, gsem)

        def wait_gather(g, obuf, bbuf, gsem):
            isl = idx_v.at[pl.ds(g * CHUNK, CHUNK)]
            pltpu.make_async_copy(ta_hbm.at[isl],
                                  obuf.at[:, pl.ds(0, A_D)], gsem).wait()
            pltpu.make_async_copy(tb_hbm.at[isl], bbuf, gsem).wait()

        def start_write(g, obuf, wsem):
            pltpu.async_copy(obuf, out_hbm.at[pl.ds(base0 + g * CHUNK, CHUNK)],
                             wsem)

        def wait_write(g, obuf, wsem):
            pltpu.make_async_copy(obuf,
                                  out_hbm.at[pl.ds(base0 + g * CHUNK, CHUNK)],
                                  wsem).wait()

        def merge(obuf, bbuf):
            def row(r, carry):
                rs = jnp.full((16,), r, jnp.int32)
                for lo, so in ((84, 256), (100, 272), (112, 284)):
                    v = plsc.load_gather(bbuf, [rs, cols + lo])
                    plsc.store_scatter(obuf, [rs, cols + so], v)
                return carry
            lax.fori_loop(0, CHUNK, row, 0)

        start_gather(0, ob0, bb0, gs0)

        def body(i, carry):
            g0 = i * 2
            g1 = g0 + 1
            wait_gather(g0, ob0, bb0, gs0)

            @pl.when(i > 0)
            def _():
                wait_write(g0 - 1, ob1, ws1)

            start_gather(g1, ob1, bb1, gs1)
            merge(ob0, bb0)
            start_write(g0, ob0, ws0)
            wait_gather(g1, ob1, bb1, gs1)
            wait_write(g0, ob0, ws0)

            @pl.when(g1 + 1 < n_chunks)
            def _():
                start_gather(g1 + 1, ob0, bb0, gs0)

            merge(ob1, bb1)
            start_write(g1, ob1, ws1)
            return carry

        lax.fori_loop(0, n_chunks // 2, body, 0)
        wait_write(n_chunks - 1, ob1, ws1)

    return k(x, table, table_b)


def kernel(x, table):
    xi = x.astype(jnp.int32)
    table_b = table[:, B_OFF:B_OFF + B_D] + jnp.float32(0.0)
    out = _sc_gather(xi, table, table_b)
    return out.reshape(x.shape[0], x.shape[1], EMB_D) + jnp.float32(0.0)

# --- scband reference (transcript-rebuilt; emitter-appended) ---
"""Pipeline reference for scband-pretrained-embeddings-53120155517044 (READ-ONLY COPY).

The authoritative reference and input builder live on the scoring server;
editing this copy changes nothing except your own understanding.
"""

import jax, jax.numpy as jnp
import numpy as np

VOCAB = 10000
EMB_DIM = 300

def setup_inputs(seed: int = 0) -> dict:
    key = jax.random.key(seed)
    k1, k2 = jax.random.split(key)
    x = jax.random.randint(k1, (4096, 50), 0, VOCAB, dtype=jnp.int64)
    table = jax.random.normal(k2, (VOCAB, EMB_DIM), dtype=jnp.float32) * 0.02
    return {"x": x, "table": table}

def reference(x, table):
    # torch.index_select(table, 0, x.flatten())
    flat = x.reshape(-1)
    result = jnp.take(table, flat, axis=0)
    if x.ndim > 1:
        result = result.reshape(x.shape[0], x.shape[1], EMB_DIM)
    return result

if __name__ == "__main__":
    import jax
    _d = setup_inputs()
    print(jax.jit(kernel)(*tuple(_d.values())))

</pallas_src>

<mosaic_0001>
#map = affine_map<(d0, d1) -> (0, 0)>
module attributes {stable_mosaic.version = 14 : i64} {
  func.func @k(%arg0: i32, %arg1: i32, %arg2: memref<4096x50xi32, #tpu.memory_space<hbm>>, %arg3: memref<10000x300xf32, #tpu.memory_space<hbm>>, %arg4: memref<10000x128xf32, #tpu.memory_space<hbm>>, %arg5: memref<204800x300xf32, #tpu.memory_space<hbm>>, %arg6: memref<128x50xi32, #tpu.memory_space<vmem>>, %arg7: memref<6400xi32, #tpu.memory_space<vmem>>, %arg8: memref<80x300xf32, #tpu.memory_space<vmem>>, %arg9: memref<80x300xf32, #tpu.memory_space<vmem>>, %arg10: memref<80x128xf32, #tpu.memory_space<vmem>>, %arg11: memref<80x128xf32, #tpu.memory_space<vmem>>, %arg12: memref<!tpu.dma_semaphore, #tpu.memory_space<semaphore_mem>>, %arg13: memref<!tpu.dma_semaphore, #tpu.memory_space<semaphore_mem>>, %arg14: memref<!tpu.dma_semaphore, #tpu.memory_space<semaphore_mem>>, %arg15: memref<!tpu.dma_semaphore, #tpu.memory_space<semaphore_mem>>) attributes {dimension_semantics = [#tpu.dimension_semantics<core_parallel>, #tpu.dimension_semantics<subcore_parallel>], iteration_bounds = array<i64: 2, 16>, scalar_prefetch = 0 : i64, scratch_operands = 10 : i64, tpu.core_type = #tpu.core_type<sc_vector_subcore>, window_params = [{transform_indices = #map}, {transform_indices = #map}, {transform_indices = #map}, {transform_indices = #map}]} {
    %mul3A = arith.constant 2 : i32
    %mul3A_0 = arith.muli %arg1, %mul3A : i32
    %add3A = arith.addi %mul3A_0, %arg0 : i32
    %mul3A_1 = arith.constant 6400 : i32
    %mul3A_2 = arith.muli %add3A, %mul3A_1 : i32
    %mul3A_3 = arith.constant 128 : i32
    %mul3A_4 = arith.muli %add3A, %mul3A_3 : i32
    "tpu.region"() ({
      %run_scoped3A = tpu.sem_alloc : memref<!tpu.dma_semaphore, #tpu.memory_space<semaphore_mem>>
      %dma_start3A_36 = arith.constant 0 : i32
      %dma_start3A_37 = tpu.memref_slice %arg2[%mul3A_4, %dma_start3A_36] : memref<4096x50xi32, #tpu.memory_space<hbm>> -> memref<128x50xi32, #tpu.memory_space<hbm>>
      %dma_start3A_38 = arith.constant 0 : i32
      %dma_start3A_39 = tpu.memref_slice %arg2[%mul3A_4, %dma_start3A_38] : memref<4096x50xi32, #tpu.memory_space<hbm>> -> memref<128x50xi32, #tpu.memory_space<hbm>>
      tpu.enqueue_dma source(%dma_start3A_39 : memref<128x50xi32, #tpu.memory_space<hbm>>) target(%arg6 : memref<128x50xi32, #tpu.memory_space<vmem>>) target_semaphore(%run_scoped3A : memref<!tpu.dma_semaphore, #tpu.memory_space<semaphore_mem>>)
      %dma_wait3A_40 = arith.constant 0 : i32
      %dma_wait3A_41 = tpu.memref_slice %arg2[%mul3A_4, %dma_wait3A_40] : memref<4096x50xi32, #tpu.memory_space<hbm>> -> memref<128x50xi32, #tpu.memory_space<hbm>>
      %dma_wait3A_42 = arith.constant 0 : i32
      %dma_wait3A_43 = tpu.memref_slice %arg2[%mul3A_4, %dma_wait3A_42] : memref<4096x50xi32, #tpu.memory_space<hbm>> -> memref<128x50xi32, #tpu.memory_space<hbm>>
      tpu.wait_dma2 semaphore(%run_scoped3A : memref<!tpu.dma_semaphore, #tpu.memory_space<semaphore_mem>>) src(%dma_wait3A_43 : memref<128x50xi32, #tpu.memory_space<hbm>>) dst(%arg6 : memref<128x50xi32, #tpu.memory_space<vmem>>)
      tpu.yield
    }) : () -> ()
    %iota3A = tpu.iota {dimensions = array<i32: 0>} : vector<16xi32>
    %scan3A = arith.constant 0 : i32
    %scan3A_5 = arith.constant 0 : i32
    %scan3A_6 = arith.constant 128 : i32
    %scan3A_7 = arith.addi %scan3A_5, %scan3A_6 : i32
    %scan3A_8 = arith.constant 1 : i32
    scf.for %scan3A_36 = %scan3A_5 to %scan3A_7 step %scan3A_8  : i32 {
      %broadcast_in_dim3A = vector.broadcast %scan3A_36 : i32 to vector<16xi32>
      %add3A_37 = arith.constant 0 : i32
      %add3A_38 = vector.broadcast %add3A_37 : i32 to vector<16xi32>
      %add3A_39 = arith.addi %iota3A, %add3A_38 : vector<16xi32>
      %gather3A = tpu.vector_load_idx %arg6[%broadcast_in_dim3A, %add3A_39] : memref<128x50xi32, #tpu.memory_space<vmem>>[vector<16xi32>, vector<16xi32>], vector<16xi32>,
      %mul3A_40 = arith.constant 50 : i32
      %mul3A_41 = arith.muli %scan3A_36, %mul3A_40 : i32
      %add3A_42 = arith.constant 0 : i32
      %add3A_43 = arith.addi %mul3A_41, %add3A_42 : i32
      %add3A_44 = vector.broadcast %add3A_43 : i32 to vector<16xi32>
      %add3A_45 = arith.addi %add3A_44, %iota3A : vector<16xi32>
      tpu.vector_store_idx %arg7[%add3A_45], %gather3A : memref<6400xi32, #tpu.memory_space<vmem>>[vector<16xi32>], vector<16xi32>,
      %add3A_46 = arith.constant 16 : i32
      %add3A_47 = vector.broadcast %add3A_46 : i32 to vector<16xi32>
      %add3A_48 = arith.addi %iota3A, %add3A_47 : vector<16xi32>
      %gather3A_49 = tpu.vector_load_idx %arg6[%broadcast_in_dim3A, %add3A_48] : memref<128x50xi32, #tpu.memory_space<vmem>>[vector<16xi32>, vector<16xi32>], vector<16xi32>,
      %mul3A_50 = arith.constant 50 : i32
      %mul3A_51 = arith.muli %scan3A_36, %mul3A_50 : i32
      %add3A_52 = arith.constant 16 : i32
      %add3A_53 = arith.addi %mul3A_51, %add3A_52 : i32
      %add3A_54 = vector.broadcast %add3A_53 : i32 to vector<16xi32>
      %add3A_55 = arith.addi %add3A_54, %iota3A : vector<16xi32>
      tpu.vector_store_idx %arg7[%add3A_55], %gather3A_49 : memref<6400xi32, #tpu.memory_space<vmem>>[vector<16xi32>], vector<16xi32>,
      %add3A_56 = arith.constant 32 : i32
      %add3A_57 = vector.broadcast %add3A_56 : i32 to vector<16xi32>
      %add3A_58 = arith.addi %iota3A, %add3A_57 : vector<16xi32>
      %gather3A_59 = tpu.vector_load_idx %arg6[%broadcast_in_dim3A, %add3A_58] : memref<128x50xi32, #tpu.memory_space<vmem>>[vector<16xi32>, vector<16xi32>], vector<16xi32>,
      %mul3A_60 = arith.constant 50 : i32
      %mul3A_61 = arith.muli %scan3A_36, %mul3A_60 : i32
      %add3A_62 = arith.constant 32 : i32
      %add3A_63 = arith.addi %mul3A_61, %add3A_62 : i32
      %add3A_64 = vector.broadcast %add3A_63 : i32 to vector<16xi32>
      %add3A_65 = arith.addi %add3A_64, %iota3A : vector<16xi32>
      tpu.vector_store_idx %arg7[%add3A_65], %gather3A_59 : memref<6400xi32, #tpu.memory_space<vmem>>[vector<16xi32>], vector<16xi32>,
      %add3A_66 = arith.constant 34 : i32
      %add3A_67 = vector.broadcast %add3A_66 : i32 to vector<16xi32>
      %add3A_68 = arith.addi %iota3A, %add3A_67 : vector<16xi32>
      %gather3A_69 = tpu.vector_load_idx %arg6[%broadcast_in_dim3A, %add3A_68] : memref<128x50xi32, #tpu.memory_space<vmem>>[vector<16xi32>, vector<16xi32>], vector<16xi32>,
      %mul3A_70 = arith.constant 50 : i32
      %mul3A_71 = arith.muli %scan3A_36, %mul3A_70 : i32
      %add3A_72 = arith.constant 34 : i32
      %add3A_73 = arith.addi %mul3A_71, %add3A_72 : i32
      %add3A_74 = vector.broadcast %add3A_73 : i32 to vector<16xi32>
      %add3A_75 = arith.addi %add3A_74, %iota3A : vector<16xi32>
      tpu.vector_store_idx %arg7[%add3A_75], %gather3A_69 : memref<6400xi32, #tpu.memory_space<vmem>>[vector<16xi32>], vector<16xi32>,
    }
    %scan3A_9 = arith.constant 128 : i32
    %dma_start3A = arith.constant 0 : i32
    %dma_start3A_10 = arith.constant 0 : i32
    %dma_start3A_11 = tpu.memref_slice %arg8[%dma_start3A, %dma_start3A_10] : memref<80x300xf32, #tpu.memory_space<vmem>> -> memref<80x256xf32, #tpu.memory_space<vmem>>
    %dma_start3A_12 = arith.constant 0 : i32
    %dma_start3A_13 = tpu.memref_slice %arg7[%dma_start3A_12] : memref<6400xi32, #tpu.memory_space<vmem>> -> memref<80xi32, #tpu.memory_space<vmem>>
    %dma_start3A_14 = arith.constant 0 : i32
    %dma_start3A_15 = arith.constant 0 : i32
    %dma_start3A_16 = tpu.memref_slice %arg3[%dma_start3A_14, %dma_start3A_15] : memref<10000x300xf32, #tpu.memory_space<hbm>> -> memref<10000x256xf32, #tpu.memory_space<hbm>>
    %dma_start3A_17 = arith.constant 0 : i32
    %dma_start3A_18 = arith.constant 0 : i32
    %dma_start3A_19 = tpu.memref_slice %dma_start3A_16[%dma_start3A_17, %dma_start3A_18] : memref<10000x256xf32, #tpu.memory_space<hbm>> -> memref<10000x256xf32, #tpu.memory_space<hbm>>
    tpu.enqueue_indirect_dma source(%dma_start3A_19 : memref<10000x256xf32, #tpu.memory_space<hbm>>) target(%dma_start3A_11 : memref<80x256xf32, #tpu.memory_space<vmem>>) offsets(%dma_start3A_13 : memref<80xi32, #tpu.memory_space<vmem>>) semaphore(%arg12 : memref<!tpu.dma_semaphore, #tpu.memory_space<semaphore_mem>>)
    %dma_start3A_20 = arith.constant 0 : i32
    %dma_start3A_21 = tpu.memref_slice %arg7[%dma_start3A_20] : memref<6400xi32, #tpu.memory_space<vmem>> -> memref<80xi32, #tpu.memory_space<vmem>>
    %dma_start3A_22 = arith.constant 0 : i32
    %dma_start3A_23 = arith.constant 0 : i32
    %dma_start3A_24 = tpu.memref_slice %arg4[%dma_start3A_22, %dma_start3A_23] : memref<10000x128xf32, #tpu.memory_space<hbm>> -> memref<10000x128xf32, #tpu.memory_space<hbm>>
    tpu.enqueue_indirect_dma source(%dma_start3A_24 : memref<10000x128xf32, #tpu.memory_space<hbm>>) target(%arg10 : memref<80x128xf32, #tpu.memory_space<vmem>>) offsets(%dma_start3A_21 : memref<80xi32, #tpu.memory_space<vmem>>) semaphore(%arg12 : memref<!tpu.dma_semaphore, #tpu.memory_space<semaphore_mem>>)
    %scan3A_25 = arith.constant 0 : i32
    %scan3A_26 = arith.constant 0 : i32
    %scan3A_27 = arith.constant 40 : i32
    %scan3A_28 = arith.addi %scan3A_26, %scan3A_27 : i32
    %scan3A_29 = arith.constant 1 : i32
    scf.for %scan3A_36 = %scan3A_26 to %scan3A_28 step %scan3A_29  : i32 {
      %mul3A_37 = arith.constant 2 : i32
      %mul3A_38 = arith.muli %scan3A_36, %mul3A_37 : i32
      %add3A_39 = arith.constant 1 : i32
      %add3A_40 = arith.addi %mul3A_38, %add3A_39 : i32
      %mul3A_41 = arith.constant 80 : i32
      %mul3A_42 = arith.muli %mul3A_38, %mul3A_41 : i32
      %dma_wait3A_43 = arith.constant 0 : i32
      %dma_wait3A_44 = arith.constant 0 : i32
      %dma_wait3A_45 = tpu.memref_slice %arg8[%dma_wait3A_43, %dma_wait3A_44] : memref<80x300xf32, #tpu.memory_space<vmem>> -> memref<80x256xf32, #tpu.memory_space<vmem>>
      %dma_wait3A_46 = tpu.memref_slice %arg7[%mul3A_42] : memref<6400xi32, #tpu.memory_space<vmem>> -> memref<80xi32, #tpu.memory_space<vmem>>
      %dma_wait3A_47 = arith.constant 0 : i32
      %dma_wait3A_48 = arith.constant 0 : i32
      %dma_wait3A_49 = tpu.memref_slice %arg3[%dma_wait3A_47, %dma_wait3A_48] : memref<10000x300xf32, #tpu.memory_space<hbm>> -> memref<10000x256xf32, #tpu.memory_space<hbm>>
      %dma_wait3A_50 = arith.constant 0 : i32
      %dma_wait3A_51 = arith.constant 0 : i32
      %dma_wait3A_52 = tpu.memref_slice %dma_wait3A_49[%dma_wait3A_50, %dma_wait3A_51] : memref<10000x256xf32, #tpu.memory_space<hbm>> -> memref<10000x256xf32, #tpu.memory_space<hbm>>
      tpu.wait_indirect_dma semaphore(%arg12 : memref<!tpu.dma_semaphore, #tpu.memory_space<semaphore_mem>>) src(%dma_wait3A_52 : memref<10000x256xf32, #tpu.memory_space<hbm>>) dst(%dma_wait3A_45 : memref<80x256xf32, #tpu.memory_space<vmem>>)
      %dma_wait3A_53 = tpu.memref_slice %arg7[%mul3A_42] : memref<6400xi32, #tpu.memory_space<vmem>> -> memref<80xi32, #tpu.memory_space<vmem>>
      %dma_wait3A_54 = arith.constant 0 : i32
      %dma_wait3A_55 = arith.constant 0 : i32
      %dma_wait3A_56 = tpu.memref_slice %arg4[%dma_wait3A_54, %dma_wait3A_55] : memref<10000x128xf32, #tpu.memory_space<hbm>> -> memref<10000x128xf32, #tpu.memory_space<hbm>>
      tpu.wait_indirect_dma semaphore(%arg12 : memref<!tpu.dma_semaphore, #tpu.memory_space<semaphore_mem>>) src(%dma_wait3A_56 : memref<10000x128xf32, #tpu.memory_space<hbm>>) dst(%arg10 : memref<80x128xf32, #tpu.memory_space<vmem>>)
      %gt3A = arith.constant 0 : i32
      %gt3A_57 = arith.cmpi sgt, %scan3A_36, %gt3A : i32
      %convert_element_type3A = arith.extui %gt3A_57 : i1 to i32
      %cond3A = arith.constant 0 : i32
      %cond3A_58 = arith.cmpi ne, %convert_element_type3A, %cond3A : i32
      scf.if %cond3A_58 {
        %sub3A = arith.constant 1 : i32
        %sub3A_130 = arith.subi %mul3A_38, %sub3A : i32
        %mul3A_131 = arith.constant 80 : i32
        %mul3A_132 = arith.muli %sub3A_130, %mul3A_131 : i32
        %add3A_133 = arith.addi %mul3A_2, %mul3A_132 : i32
        %dma_wait3A_134 = arith.constant 0 : i32
        %dma_wait3A_135 = tpu.memref_slice %arg5[%add3A_133, %dma_wait3A_134] : memref<204800x300xf32, #tpu.memory_space<hbm>> -> memref<80x300xf32, #tpu.memory_space<hbm>>
        %dma_wait3A_136 = arith.constant 0 : i32
        %dma_wait3A_137 = tpu.memref_slice %arg5[%add3A_133, %dma_wait3A_136] : memref<204800x300xf32, #tpu.memory_space<hbm>> -> memref<80x300xf32, #tpu.memory_space<hbm>>
        tpu.wait_dma2 semaphore(%arg15 : memref<!tpu.dma_semaphore, #tpu.memory_space<semaphore_mem>>) src(%arg9 : memref<80x300xf32, #tpu.memory_space<vmem>>) dst(%dma_wait3A_137 : memref<80x300xf32, #tpu.memory_space<hbm>>)
      } else {
      }
      %mul3A_59 = arith.constant 80 : i32
      %mul3A_60 = arith.muli %add3A_40, %mul3A_59 : i32
      %dma_start3A_61 = arith.constant 0 : i32
      %dma_start3A_62 = arith.constant 0 : i32
      %dma_start3A_63 = tpu.memref_slice %arg9[%dma_start3A_61, %dma_start3A_62] : memref<80x300xf32, #tpu.memory_space<vmem>> -> memref<80x256xf32, #tpu.memory_space<vmem>>
      %dma_start3A_64 = tpu.memref_slice %arg7[%mul3A_60] : memref<6400xi32, #tpu.memory_space<vmem>> -> memref<80xi32, #tpu.memory_space<vmem>>
      %dma_start3A_65 = arith.constant 0 : i32
      %dma_start3A_66 = arith.constant 0 : i32
      %dma_start3A_67 = tpu.memref_slice %arg3[%dma_start3A_65, %dma_start3A_66] : memref<10000x300xf32, #tpu.memory_space<hbm>> -> memref<10000x256xf32, #tpu.memory_space<hbm>>
      %dma_start3A_68 = arith.constant 0 : i32
      %dma_start3A_69 = arith.constant 0 : i32
      %dma_start3A_70 = tpu.memref_slice %dma_start3A_67[%dma_start3A_68, %dma_start3A_69] : memref<10000x256xf32, #tpu.memory_space<hbm>> -> memref<10000x256xf32, #tpu.memory_space<hbm>>
      tpu.enqueue_indirect_dma source(%dma_start3A_70 : memref<10000x256xf32, #tpu.memory_space<hbm>>) target(%dma_start3A_63 : memref<80x256xf32, #tpu.memory_space<vmem>>) offsets(%dma_start3A_64 : memref<80xi32, #tpu.memory_space<vmem>>) semaphore(%arg13 : memref<!tpu.dma_semaphore, #tpu.memory_space<semaphore_mem>>)
      %dma_start3A_71 = tpu.memref_slice %arg7[%mul3A_60] : memref<6400xi32, #tpu.memory_space<vmem>> -> memref<80xi32, #tpu.memory_space<vmem>>
      %dma_start3A_72 = arith.constant 0 : i32
      %dma_start3A_73 = arith.constant 0 : i32
      %dma_start3A_74 = tpu.memref_slice %arg4[%dma_start3A_72, %dma_start3A_73] : memref<10000x128xf32, #tpu.memory_space<hbm>> -> memref<10000x128xf32, #tpu.memory_space<hbm>>
      tpu.enqueue_indirect_dma source(%dma_start3A_74 : memref<10000x128xf32, #tpu.memory_space<hbm>>) target(%arg11 : memref<80x128xf32, #tpu.memory_space<vmem>>) offsets(%dma_start3A_71 : memref<80xi32, #tpu.memory_space<vmem>>) semaphore(%arg13 : memref<!tpu.dma_semaphore, #tpu.memory_space<semaphore_mem>>)
      %scan3A_75 = arith.constant 0 : i32
      %scan3A_76 = arith.constant 0 : i32
      %scan3A_77 = arith.constant 80 : i32
      %scan3A_78 = arith.addi %scan3A_76, %scan3A_77 : i32
      %scan3A_79 = arith.constant 1 : i32
      scf.for %scan3A_130 = %scan3A_76 to %scan3A_78 step %scan3A_79  : i32 {
        %broadcast_in_dim3A = vector.broadcast %scan3A_130 : i32 to vector<16xi32>
        %add3A_131 = arith.constant 84 : i32
        %add3A_132 = vector.broadcast %add3A_131 : i32 to vector<16xi32>
        %add3A_133 = arith.addi %iota3A, %add3A_132 : vector<16xi32>
        %gather3A = tpu.vector_load_idx %arg10[%broadcast_in_dim3A, %add3A_133] : memref<80x128xf32, #tpu.memory_space<vmem>>[vector<16xi32>, vector<16xi32>], vector<16xf32>,
        %add3A_134 = arith.constant 256 : i32
        %add3A_135 = vector.broadcast %add3A_134 : i32 to vector<16xi32>
        %add3A_136 = arith.addi %iota3A, %add3A_135 : vector<16xi32>
        tpu.vector_store_idx %arg8[%broadcast_in_dim3A, %add3A_136], %gather3A : memref<80x300xf32, #tpu.memory_space<vmem>>[vector<16xi32>, vector<16xi32>], vector<16xf32>,
        %add3A_137 = arith.constant 100 : i32
        %add3A_138 = vector.broadcast %add3A_137 : i32 to vector<16xi32>
        %add3A_139 = arith.addi %iota3A, %add3A_138 : vector<16xi32>
        %gather3A_140 = tpu.vector_load_idx %arg10[%broadcast_in_dim3A, %add3A_139] : memref<80x128xf32, #tpu.memory_space<vmem>>[vector<16xi32>, vector<16xi32>], vector<16xf32>,
        %add3A_141 = arith.constant 272 : i32
        %add3A_142 = vector.broadcast %add3A_141 : i32 to vector<16xi32>
        %add3A_143 = arith.addi %iota3A, %add3A_142 : vector<16xi32>
        tpu.vector_store_idx %arg8[%broadcast_in_dim3A, %add3A_143], %gather3A_140 : memref<80x300xf32, #tpu.memory_space<vmem>>[vector<16xi32>, vector<16xi32>], vector<16xf32>,
        %add3A_144 = arith.constant 112 : i32
        %add3A_145 = vector.broadcast %add3A_144 : i32 to vector<16xi32>
        %add3A_146 = arith.addi %iota3A, %add3A_145 : vector<16xi32>
        %gather3A_147 = tpu.vector_load_idx %arg10[%broadcast_in_dim3A, %add3A_146] : memref<80x128xf32, #tpu.memory_space<vmem>>[vector<16xi32>, vector<16xi32>], vector<16xf32>,
        %add3A_148 = arith.constant 284 : i32
        %add3A_149 = vector.broadcast %add3A_148 : i32 to vector<16xi32>
        %add3A_150 = arith.addi %iota3A, %add3A_149 : vector<16xi32>
        tpu.vector_store_idx %arg8[%broadcast_in_dim3A, %add3A_150], %gather3A_147 : memref<80x300xf32, #tpu.memory_space<vmem>>[vector<16xi32>, vector<16xi32>], vector<16xf32>,
      }
      %scan3A_80 = arith.constant 80 : i32
      %mul3A_81 = arith.constant 80 : i32
      %mul3A_82 = arith.muli %mul3A_38, %mul3A_81 : i32
      %add3A_83 = arith.addi %mul3A_2, %mul3A_82 : i32
      %dma_start3A_84 = arith.constant 0 : i32
      %dma_start3A_85 = tpu.memref_slice %arg5[%add3A_83, %dma_start3A_84] : memref<204800x300xf32, #tpu.memory_space<hbm>> -> memref<80x300xf32, #tpu.memory_space<hbm>>
      %dma_start3A_86 = arith.constant 0 : i32
      %dma_start3A_87 = tpu.memref_slice %arg5[%add3A_83, %dma_start3A_86] : memref<204800x300xf32, #tpu.memory_space<hbm>> -> memref<80x300xf32, #tpu.memory_space<hbm>>
      tpu.enqueue_dma source(%arg8 : memref<80x300xf32, #tpu.memory_space<vmem>>) target(%dma_start3A_87 : memref<80x300xf32, #tpu.memory_space<hbm>>) target_semaphore(%arg14 : memref<!tpu.dma_semaphore, #tpu.memory_space<semaphore_mem>>)
      %mul3A_88 = arith.constant 80 : i32
      %mul3A_89 = arith.muli %add3A_40, %mul3A_88 : i32
      %dma_wait3A_90 = arith.constant 0 : i32
      %dma_wait3A_91 = arith.constant 0 : i32
      %dma_wait3A_92 = tpu.memref_slice %arg9[%dma_wait3A_90, %dma_wait3A_91] : memref<80x300xf32, #tpu.memory_space<vmem>> -> memref<80x256xf32, #tpu.memory_space<vmem>>
      %dma_wait3A_93 = tpu.memref_slice %arg7[%mul3A_89] : memref<6400xi32, #tpu.memory_space<vmem>> -> memref<80xi32, #tpu.memory_space<vmem>>
      %dma_wait3A_94 = arith.constant 0 : i32
      %dma_wait3A_95 = arith.constant 0 : i32
      %dma_wait3A_96 = tpu.memref_slice %arg3[%dma_wait3A_94, %dma_wait3A_95] : memref<10000x300xf32, #tpu.memory_space<hbm>> -> memref<10000x256xf32, #tpu.memory_space<hbm>>
      %dma_wait3A_97 = arith.constant 0 : i32
      %dma_wait3A_98 = arith.constant 0 : i32
      %dma_wait3A_99 = tpu.memref_slice %dma_wait3A_96[%dma_wait3A_97, %dma_wait3A_98] : memref<10000x256xf32, #tpu.memory_space<hbm>> -> memref<10000x256xf32, #tpu.memory_space<hbm>>
      tpu.wait_indirect_dma semaphore(%arg13 : memref<!tpu.dma_semaphore, #tpu.memory_space<semaphore_mem>>) src(%dma_wait3A_99 : memref<10000x256xf32, #tpu.memory_space<hbm>>) dst(%dma_wait3A_92 : memref<80x256xf32, #tpu.memory_space<vmem>>)
      %dma_wait3A_100 = tpu.memref_slice %arg7[%mul3A_89] : memref<6400xi32, #tpu.memory_space<vmem>> -> memref<80xi32, #tpu.memory_space<vmem>>
      %dma_wait3A_101 = arith.constant 0 : i32
      %dma_wait3A_102 = arith.constant 0 : i32
      %dma_wait3A_103 = tpu.memref_slice %arg4[%dma_wait3A_101, %dma_wait3A_102] : memref<10000x128xf32, #tpu.memory_space<hbm>> -> memref<10000x128xf32, #tpu.memory_space<hbm>>
      tpu.wait_indirect_dma semaphore(%arg13 : memref<!tpu.dma_semaphore, #tpu.memory_space<semaphore_mem>>) src(%dma_wait3A_103 : memref<10000x128xf32, #tpu.memory_space<hbm>>) dst(%arg11 : memref<80x128xf32, #tpu.memory_space<vmem>>)
      %mul3A_104 = arith.constant 80 : i32
      %mul3A_105 = arith.muli %mul3A_38, %mul3A_104 : i32
      %add3A_106 = arith.addi %mul3A_2, %mul3A_105 : i32
      %dma_wait3A_107 = arith.constant 0 : i32
      %dma_wait3A_108 = tpu.memref_slice %arg5[%add3A_106, %dma_wait3A_107] : memref<204800x300xf32, #tpu.memory_space<hbm>> -> memref<80x300xf32, #tpu.memory_space<hbm>>
      %dma_wait3A_109 = arith.constant 0 : i32
      %dma_wait3A_110 = tpu.memref_slice %arg5[%add3A_106, %dma_wait3A_109] : memref<204800x300xf32, #tpu.memory_space<hbm>> -> memref<80x300xf32, #tpu.memory_space<hbm>>
      tpu.wait_dma2 semaphore(%arg14 : memref<!tpu.dma_semaphore, #tpu.memory_space<semaphore_mem>>) src(%arg8 : memref<80x300xf32, #tpu.memory_space<vmem>>) dst(%dma_wait3A_110 : memref<80x300xf32, #tpu.memory_space<hbm>>)
      %add3A_111 = arith.constant 1 : i32
      %add3A_112 = arith.addi %add3A_40, %add3A_111 : i32
      %lt3A = arith.constant 80 : i32
      %lt3A_113 = arith.cmpi slt, %add3A_112, %lt3A : i32
      %convert_element_type3A_114 = arith.extui %lt3A_113 : i1 to i32
      %cond3A_115 = arith.constant 0 : i32
      %cond3A_116 = arith.cmpi ne, %convert_element_type3A_114, %cond3A_115 : i32
      scf.if %cond3A_116 {
        %add3A_130 = arith.constant 1 : i32
        %add3A_131 = arith.addi %add3A_40, %add3A_130 : i32
        %mul3A_132 = arith.constant 80 : i32
        %mul3A_133 = arith.muli %add3A_131, %mul3A_132 : i32
        %dma_start3A_134 = arith.constant 0 : i32
        %dma_start3A_135 = arith.constant 0 : i32
        %dma_start3A_136 = tpu.memref_slice %arg8[%dma_start3A_134, %dma_start3A_135] : memref<80x300xf32, #tpu.memory_space<vmem>> -> memref<80x256xf32, #tpu.memory_space<vmem>>
        %dma_start3A_137 = tpu.memref_slice %arg7[%mul3A_133] : memref<6400xi32, #tpu.memory_space<vmem>> -> memref<80xi32, #tpu.memory_space<vmem>>
        %dma_start3A_138 = arith.constant 0 : i32
        %dma_start3A_139 = arith.constant 0 : i32
        %dma_start3A_140 = tpu.memref_slice %arg3[%dma_start3A_138, %dma_start3A_139] : memref<10000x300xf32, #tpu.memory_space<hbm>> -> memref<10000x256xf32, #tpu.memory_space<hbm>>
        %dma_start3A_141 = arith.constant 0 : i32
        %dma_start3A_142 = arith.constant 0 : i32
        %dma_start3A_143 = tpu.memref_slice %dma_start3A_140[%dma_start3A_141, %dma_start3A_142] : memref<10000x256xf32, #tpu.memory_space<hbm>> -> memref<10000x256xf32, #tpu.memory_space<hbm>>
        tpu.enqueue_indirect_dma source(%dma_start3A_143 : memref<10000x256xf32, #tpu.memory_space<hbm>>) target(%dma_start3A_136 : memref<80x256xf32, #tpu.memory_space<vmem>>) offsets(%dma_start3A_137 : memref<80xi32, #tpu.memory_space<vmem>>) semaphore(%arg12 : memref<!tpu.dma_semaphore, #tpu.memory_space<semaphore_mem>>)
        %dma_start3A_144 = tpu.memref_slice %arg7[%mul3A_133] : memref<6400xi32, #tpu.memory_space<vmem>> -> memref<80xi32, #tpu.memory_space<vmem>>
        %dma_start3A_145 = arith.constant 0 : i32
        %dma_start3A_146 = arith.constant 0 : i32
        %dma_start3A_147 = tpu.memref_slice %arg4[%dma_start3A_145, %dma_start3A_146] : memref<10000x128xf32, #tpu.memory_space<hbm>> -> memref<10000x128xf32, #tpu.memory_space<hbm>>
        tpu.enqueue_indirect_dma source(%dma_start3A_147 : memref<10000x128xf32, #tpu.memory_space<hbm>>) target(%arg10 : memref<80x128xf32, #tpu.memory_space<vmem>>) offsets(%dma_start3A_144 : memref<80xi32, #tpu.memory_space<vmem>>) semaphore(%arg12 : memref<!tpu.dma_semaphore, #tpu.memory_space<semaphore_mem>>)
      } else {
      }
      %scan3A_117 = arith.constant 0 : i32
      %scan3A_118 = arith.constant 0 : i32
      %scan3A_119 = arith.constant 80 : i32
      %scan3A_120 = arith.addi %scan3A_118, %scan3A_119 : i32
      %scan3A_121 = arith.constant 1 : i32
      scf.for %scan3A_130 = %scan3A_118 to %scan3A_120 step %scan3A_121  : i32 {
        %broadcast_in_dim3A = vector.broadcast %scan3A_130 : i32 to vector<16xi32>
        %add3A_131 = arith.constant 84 : i32
        %add3A_132 = vector.broadcast %add3A_131 : i32 to vector<16xi32>
        %add3A_133 = arith.addi %iota3A, %add3A_132 : vector<16xi32>
        %gather3A = tpu.vector_load_idx %arg11[%broadcast_in_dim3A, %add3A_133] : memref<80x128xf32, #tpu.memory_space<vmem>>[vector<16xi32>, vector<16xi32>], vector<16xf32>,
        %add3A_134 = arith.constant 256 : i32
        %add3A_135 = vector.broadcast %add3A_134 : i32 to vector<16xi32>
        %add3A_136 = arith.addi %iota3A, %add3A_135 : vector<16xi32>
        tpu.vector_store_idx %arg9[%broadcast_in_dim3A, %add3A_136], %gather3A : memref<80x300xf32, #tpu.memory_space<vmem>>[vector<16xi32>, vector<16xi32>], vector<16xf32>,
        %add3A_137 = arith.constant 100 : i32
        %add3A_138 = vector.broadcast %add3A_137 : i32 to vector<16xi32>
        %add3A_139 = arith.addi %iota3A, %add3A_138 : vector<16xi32>
        %gather3A_140 = tpu.vector_load_idx %arg11[%broadcast_in_dim3A, %add3A_139] : memref<80x128xf32, #tpu.memory_space<vmem>>[vector<16xi32>, vector<16xi32>], vector<16xf32>,
        %add3A_141 = arith.constant 272 : i32
        %add3A_142 = vector.broadcast %add3A_141 : i32 to vector<16xi32>
        %add3A_143 = arith.addi %iota3A, %add3A_142 : vector<16xi32>
        tpu.vector_store_idx %arg9[%broadcast_in_dim3A, %add3A_143], %gather3A_140 : memref<80x300xf32, #tpu.memory_space<vmem>>[vector<16xi32>, vector<16xi32>], vector<16xf32>,
        %add3A_144 = arith.constant 112 : i32
        %add3A_145 = vector.broadcast %add3A_144 : i32 to vector<16xi32>
        %add3A_146 = arith.addi %iota3A, %add3A_145 : vector<16xi32>
        %gather3A_147 = tpu.vector_load_idx %arg11[%broadcast_in_dim3A, %add3A_146] : memref<80x128xf32, #tpu.memory_space<vmem>>[vector<16xi32>, vector<16xi32>], vector<16xf32>,
        %add3A_148 = arith.constant 284 : i32
        %add3A_149 = vector.broadcast %add3A_148 : i32 to vector<16xi32>
        %add3A_150 = arith.addi %iota3A, %add3A_149 : vector<16xi32>
        tpu.vector_store_idx %arg9[%broadcast_in_dim3A, %add3A_150], %gather3A_147 : memref<80x300xf32, #tpu.memory_space<vmem>>[vector<16xi32>, vector<16xi32>], vector<16xf32>,
      }
      %scan3A_122 = arith.constant 80 : i32
      %mul3A_123 = arith.constant 80 : i32
      %mul3A_124 = arith.muli %add3A_40, %mul3A_123 : i32
      %add3A_125 = arith.addi %mul3A_2, %mul3A_124 : i32
      %dma_start3A_126 = arith.constant 0 : i32
      %dma_start3A_127 = tpu.memref_slice %arg5[%add3A_125, %dma_start3A_126] : memref<204800x300xf32, #tpu.memory_space<hbm>> -> memref<80x300xf32, #tpu.memory_space<hbm>>
      %dma_start3A_128 = arith.constant 0 : i32
      %dma_start3A_129 = tpu.memref_slice %arg5[%add3A_125, %dma_start3A_128] : memref<204800x300xf32, #tpu.memory_space<hbm>> -> memref<80x300xf32, #tpu.memory_space<hbm>>
      tpu.enqueue_dma source(%arg9 : memref<80x300xf32, #tpu.memory_space<vmem>>) target(%dma_start3A_129 : memref<80x300xf32, #tpu.memory_space<hbm>>) target_semaphore(%arg15 : memref<!tpu.dma_semaphore, #tpu.memory_space<semaphore_mem>>)
    }
    %scan3A_30 = arith.constant 40 : i32
    %add3A_31 = arith.constant 6320 : i32
    %add3A_32 = arith.addi %mul3A_2, %add3A_31 : i32
    %dma_wait3A = arith.constant 0 : i32
    %dma_wait3A_33 = tpu.memref_slice %arg5[%add3A_32, %dma_wait3A] : memref<204800x300xf32, #tpu.memory_space<hbm>> -> memref<80x300xf32, #tpu.memory_space<hbm>>
    %dma_wait3A_34 = arith.constant 0 : i32
    %dma_wait3A_35 = tpu.memref_slice %arg5[%add3A_32, %dma_wait3A_34] : memref<204800x300xf32, #tpu.memory_space<hbm>> -> memref<80x300xf32, #tpu.memory_space<hbm>>
    tpu.wait_dma2 semaphore(%arg15 : memref<!tpu.dma_semaphore, #tpu.memory_space<semaphore_mem>>) src(%arg9 : memref<80x300xf32, #tpu.memory_space<vmem>>) dst(%dma_wait3A_35 : memref<80x300xf32, #tpu.memory_space<hbm>>)
    return
  }
}

</mosaic_0001>

<sc_bundles>
// kernel: kernel.3.cloned.1.call-start
scs
__scs_entry_jumppad:
0x0: {  	(pc) =	sbr.rel $0x88, $3  }
0x1: {  	(tag) =	ssettag $0x0;
	lr =	simm.s32 $0x1  }
0x2: {  	[smem:$0x3F9F] =	sst lr;
	_ =	strace $0xD0000000  }
0x3: {  	_ = 	snop  }
0x4: {  	_ = 	snop  }
0x5: {  	_ = 	snop  }
0x6: {  	_ = 	snop  }
0x7: {  	_ = 	snop  }
__scs_overlays_trampoline_lowered:
0x8: {  	[smem:$0x3FAE] =	sst s0  }
0x9: {  	[smem:$0x3FAF] =	sst s1  }
0xa: {  	[smem:$0x3FB0] =	sst s2  }
0xb: {  	[smem:$0x3FB1] =	sst s3  }
0xc: {  	[smem:$0x3FB2] =	sst s4  }
0xd: {  	[smem:$0x3FB3] =	sst s5  }
0xe: {  	[smem:$0x3FB4] =	sst s6  }
0xf: {  	[smem:$0x3FB5] =	sst s7  }
0x10: {  	[smem:$0x3FB6] =	sst s8  }
0x11: {  	[smem:$0x3FB7] =	sst s9;
	s0 =	simm.s32 @!p0 $0x0  }
0x12: {  	s1 =	sld [smem:$0x3F9D];
	s0 =	simm.s32 @p0 $0x1  }
0x13: {  	[smem:$0x3FB8] =	sst s0;
	s0 =	simm.s32 @!p1 $0x0  }
0x14: {  	s2 =	sld [smem:$0x3F9C];
	s0 =	simm.s32 @p1 $0x1  }
0x15: {  	[smem:$0x3FB9] =	sst s0;
	s0 =	simm.s32 @!p2 $0x0  }
0x16: {  	s3 =	sld [smem:$0x3FDB];
	s0 =	simm.s32 @p2 $0x1  }
0x17: {  	s4 =	simm.s32 $0x1BF5;
	[smem:$0x3FBB] =	sst s0  }
0x18: {  	s0 =	sld [smem:$0x3F9E];
	_ =	swait.ge [sflag:s4], $0x0  }
0x19: {  	s7 =	sld [smem:$0x3F9F]  }
0x1a: {  	s8 =	sadd.s32 $0xFFFFE003, lr  }
0x1b: {  	s9 =	sadd.s32 $0xFFFFFEF7, lr;
	s5 =	simm.s32 $0xFFFFFFFF;
	p2 =	slt.u32 s8, $0xFFFFF086  }
0x1c: {  	p1 =	slt.u32 s9, $0xF7A;
	s5 =	simm.s32 @!p2 $0x0  }
0x1d: {  	s5 =	simm.s32 @p1 $0x1;
	p0 =	seq.s32 s7, s2  }
0x1e: {  	s7 =	smul.u32 @!p0 $0xF7A, s2;
	p2 =	seq.s32 @!p0 s5, $0x0  }
0x1f: {  	s9 =	smul.u32 $0xF7A, s1;
	s8 =	simm.s32 @!p0 $0x1BF5;
	p2 =	por !p2, p0  }
0x20: {  	[sflag:s8] =	ssyncset.s32 @!p0 $0xFFFFF086;
	s6 =	sadd.s32 @!p0 s3, s7;
	s7 =	simm.s32 @!p0 $0x108  }
0x21: {  	s3 =	sadd.s32 s3, s9;
	s6 =	sadd.s32 @!p0 $0x88, s6;
	s7 =	simm.s32 @p2 $0x1082  }
0x22: {  	[simem:s7], [sflag:s8] =	dma.local @!p0 [hbm:s6], $0xF7A  }
0x23: {  	s9 =	sor.u32 $0xD0000000, s2;
	s6 =	simm.s32 $0x108;
	_ =	swait.ge @!p0 [sflag:s8], $0x0  }
0x24: {  	s3 =	sadd.s32 $0x88, s3;
	s6 =	simm.s32 @!p1 $0x1082;
	[sflag:s4] =	ssyncset.s32 $0xFFFFF086  }
0x25: {  	[simem:s6], [sflag:s4] =	dma.local [hbm:s3], $0xF7A  }
0x26: {  	[smem:$0x3F9F] =	sst s1;
	(tag) =	ssettag s2;
	_ =	strace s9  }
0x27: {  	s1 =	sld [smem:$0x3FAF]  }
0x28: {  	s2 =	sld [smem:$0x3FB0]  }
0x29: {  	s4 =	sld [smem:$0x3FB2]  }
0x2a: {  	p0 =	seq.s32 s5, $0x0;
	s5 =	sld [smem:$0x3FB3]  }
0x2b: {  	s6 =	sld [smem:$0x3FB4]  }
0x2c: {  	s7 =	sld [smem:$0x3FB5]  }
0x2d: {  	s3 =	simm.s32 $0x108;
	s8 =	sld [smem:$0x3FB6]  }
0x2e: {  	s3 =	simm.s32 @!p0 $0x1082;
	s9 =	sld [smem:$0x3FB7]  }
0x2f: {  	lr =	sadd.s32 s0, s3;
	s0 =	sld [smem:$0x3FAE]  }
0x30: {  	s3 =	sld [smem:$0x3FB1]  }
0x31: {  	[smem:$0x3FBA] =	sst s10  }
0x32: {  	s10 =	sld [smem:$0x3FB8];
	_ =	sdelay $0x3  }
0x33: {  	p0 =	seq.s32 s10, $0x1;
	s10 =	sld [smem:$0x3FBA];
	_ =	sdelay $0x3  }
0x34: {  	[smem:$0x3FBA] =	sst s10  }
0x35: {  	s10 =	sld [smem:$0x3FB9];
	_ =	sdelay $0x3  }
0x36: {  	p1 =	seq.s32 s10, $0x1;
	s10 =	sld [smem:$0x3FBA];
	_ =	sdelay $0x3  }
0x37: {  	[smem:$0x3FBA] =	sst s10  }
0x38: {  	s10 =	sld [smem:$0x3FBB]  }
0x39: {  	_ = 	snop;
	(pc) =	sbr.ind lr, $3  }
0x3a: {  	_ = 	snop  }
0x3b: {  	_ = 	snop  }
0x3c: {  	p2 =	seq.s32 s10, $0x1;
	s10 =	sld [smem:$0x3FBA]  }
0x3d: {  	_ =	shalt  }
0x3e: {  	_ =	shalt  }
0x3f: {  	_ =	shalt  }
0x40: {  	_ =	shalt  }
0x41: {  	_ =	shalt  }
0x42: {  	_ =	shalt  }
0x43: {  	_ =	shalt  }
0x44: {  	_ =	shalt  }
0x45: {  	_ =	shalt  }
0x46: {  	_ =	shalt  }
0x47: {  	_ =	shalt  }
0x48: {  	_ =	shalt  }
0x49: {  	_ =	shalt  }
0x4a: {  	_ =	shalt  }
0x4b: {  	_ =	shalt  }
0x4c: {  	_ =	shalt  }
0x4d: {  	_ =	shalt  }
0x4e: {  	_ =	shalt  }
0x4f: {  	_ =	shalt  }
0x50: {  	_ =	shalt  }
0x51: {  	_ =	shalt  }
0x52: {  	_ =	shalt  }
0x53: {  	_ =	shalt  }
0x54: {  	_ =	shalt  }
0x55: {  	_ =	shalt  }
0x56: {  	_ =	shalt  }
0x57: {  	_ =	shalt  }
0x58: {  	_ =	shalt  }
0x59: {  	_ =	shalt  }
0x5a: {  	_ =	shalt  }
0x5b: {  	_ =	shalt  }
0x5c: {  	_ =	shalt  }
0x5d: {  	_ =	shalt  }
0x5e: {  	_ =	shalt  }
0x5f: {  	_ =	shalt  }
0x60: {  	_ =	shalt  }
0x61: {  	_ =	shalt  }
0x62: {  	_ =	shalt  }
0x63: {  	_ =	shalt  }
0x64: {  	_ =	shalt  }
0x65: {  	_ =	shalt  }
0x66: {  	_ =	shalt  }
0x67: {  	_ =	shalt  }
0x68: {  	_ =	shalt  }
0x69: {  	_ =	shalt  }
0x6a: {  	_ =	shalt  }
0x6b: {  	_ =	shalt  }
0x6c: {  	_ =	shalt  }
0x6d: {  	_ =	shalt  }
0x6e: {  	_ =	shalt  }
0x6f: {  	_ =	shalt  }
0x70: {  	_ =	shalt  }
0x71: {  	_ =	shalt  }
0x72: {  	_ =	shalt  }
0x73: {  	_ =	shalt  }
0x74: {  	_ =	shalt  }
0x75: {  	_ =	shalt  }
0x76: {  	_ =	shalt  }
0x77: {  	_ =	shalt  }
0x78: {  	_ =	shalt  }
0x79: {  	_ =	shalt  }
0x7a: {  	_ =	shalt  }
0x7b: {  	_ =	shalt  }
0x7c: {  	_ =	shalt  }
0x7d: {  	_ =	shalt  }
0x7e: {  	_ =	shalt  }
0x7f: {  	_ =	shalt  }
0x80: {  	_ =	shalt  }
0x81: {  	_ =	shalt  }
0x82: {  	_ =	shalt  }
0x83: {  	_ =	shalt  }
0x84: {  	_ =	shalt  }
0x85: {  	_ =	shalt  }
0x86: {  	_ =	shalt  }
0x87: {  	_ =	shalt  }
.Lfunc_end0:
.L_simem_size_0:
called_computation.1_lowered:
.L_overlay_start_0:
0x88: {  	s2 =	sld [smem:$0x3FD9]  }
0x89: {  	s3 =	sld [smem:$0x3FFE];
	_ =	sdelay $0x1  }
0x8a: {  	s1 =	srdreg.scid  }
0x8b: {  	s0 =	sand.u32 $0x1, s1  }
0x8c: {  	s17 =	sshll.u32 s0, $0xA;
	s2 =	sadd.s32 s3, s2  }
0x8d: {  	s2 =	sadd.s32 s2, s17  }
0x8e: {  	[smem:$0x3FC6] =	sst s2  }
0x8f: {  	_ = 	snop  }
0x90: {  	s2 =	sld [smem:$0x3FD0];
	(tm) =	ssettm $0x1  }
0x91: {  	s18 =	sld [smem:$0x3FFB];
	_ =	sdelay $0x3  }
0x92: {  	_ =	strace s18  }
0x93: {  	s3 =	sld [smem:$0x3FFC];
	_ =	sdelay $0x3  }
0x94: {  	_ =	strace s3  }
0x95: {  	s3 =	sld [smem:$0x3FFD];
	_ =	sdelay $0x3  }
0x96: {  	_ =	strace s3  }
0x97: {  	_ =	strace $0x8FFFFFFF  }
0x98: {  	s19 =	sld [smem:$0x3FDB];
	_ =	sdelay $0x1  }
0x99: {  	s4 =	simm.s32 $_scs_section_size  }
0x9a: {  	s5 =	simm.s32 $_size__tile_overlayer_lowered;
	s6 =	simm.s32 $_tile_overlayer_lowered  }
0x9b: {  	s22 =	simm.s32 $0x1BFF;
	s21 =	sshll.u32 s6, $0x1;
	s3 =	sadd.s32 s4, s19  }
0x9c: {  	s7 =	simm.s32 $0x0;
	s20 =	sshll.u32 s5, $0x1;
	s5 =	sadd.s32 s21, s3  }
0x9d: {  	[timem:s7], [sflag:s22] =	dma.local [hbm:s5], s20  }
0x9e: {  	_ =	swait.ge [sflag:s22], s20  }
0x9f: {  	s4 =	ssub.s32 $0x0, s20;
	[sflag:s22] =	ssyncset.done $0x0  }
0xa0: {  	[sflag:s22] =	ssyncadd.s32 s4;
	_ =	sdelay $0x1  }
0xa1: {  	s23 =	simm.s32 $0x1B8B  }
0xa2: {  	_ =	swait.ge [sflag:s23], $0x1  }
0xa3: {  	[sflag:s23] =	ssyncset.done $0x0  }
0xa4: {  	s25 =	simm.s32 $0x1B8E;
	s24 =	sld [smem:$0x3FFE];
	[sflag:s23] =	ssyncadd.s32 $0xFFFFFFFF  }
0xa5: {  	s26 =	simm.s32 $execute0_lowered;
	[smem:$0x3FD2] =	sst s25  }
0xa6: {  	s5 =	sshll.u32 s26, $0x1;
	_ =	strace $0x80000046;
	[dreg:$0x1] =	wrdreg $0xFFFFFFFF  }
0xa7: {  	s28 =	simm.s32 $_size_execute0_lowered;
	s3 =	sadd.s32 s3, s5;
	[dreg:$0x0] =	wrdreg $0x0  }
0xa8: {  	s5 =	sshll.u32 s28, $0x1;
	[dreg:$0x2] =	wrdreg s3  }
0xa9: {  	[dreg:$0x3] =	wrdreg s5  }
0xaa: {  	[dreg:$0x4] =	wrdreg $0xC0  }
0xab: {  	_ =	task [dreg:s7], $0x5FFFF  }
0xac: {  	[dreg:$0x1] =	wrdreg $0xFFFFFFFF  }
0xad: {  	[dreg:$0x0] =	wrdreg $0x60  }
0xae: {  	[dreg:$0x2] =	wrdreg s24  }
0xaf: {  	[dreg:$0x3] =	wrdreg s2  }
0xb0: {  	[dreg:$0x4] =	wrdreg $0x9  }
0xb1: {  	_ =	task.clear_ibuf [dreg:s7], $0x5FFFF;
	_ =	strace $0x90000046  }
0xb2: {  	s29 =	simm.s32 $0x9;
	_ =	strace $0x80000048  }
0xb3: {  	_ =	swait.ge [sflag:s29], $0x1  }
0xb4: {  	[sflag:s29] =	ssyncadd.s32 $0xFFFFFFFF  }
0xb5: {  	_ =	strace $0x90000048  }
0xb6: {  	_ =	sfence  }
0xb7: {  	s30 =	sld [smem:$0x0];
	_ =	sdelay $0x2  }
0xb8: {  	s31 =	sshll.u32 s1, $0xD;
	s1 =	sshrl.u32 s1, $0x2  }
0xb9: {  	s3 =	sand.u32 $0x4000, s31;
	s1 =	sadd.s32 s1, s30  }
0xba: {  	s0 =	sor.u32 s3, s0;
	s1 =	sshll.u32 s1, $0x11  }
0xbb: {  	s0 =	sor.u32 s1, s0  }
0xbc: {  	s0 =	sadd.s32 $0x8F2B, s0  }
0xbd: {  	[sflag:s0] =	ssyncadd.remote.s32 $0x1  }
0xbe: {  	_ =	sfence.sel $0xFFFF  }
0xbf: {  	[dreg:$0x0] =	wrdreg $0xFFFFFFFF;
	(pc) =	sbr.abs _section_cstart, $3  }
0xc0: {  	[dreg:$0x1] =	wrdreg $0xFFFFFFFF  }
0xc1: {  	_ =	task.clear_ibuf [dreg:s7], $0x2FFFF;
	_ =	strace $0x9FFFFFFF  }
0xc2: {  	(tm) =	ssettm $0x7FFFFFFF  }
0xc3: {  	_ =	shalt  }
tec
execute0_lowered:
.L_overlay_start_1:
0x0: {  	(tag) =	ssettag $0x1  }
0x1: {  	s0 =	rddreg [dreg:$0x0];
	s1 =	srdreg.scid  }
0x2: {  	s3 =	stileid.u32;
	s2 =	rddreg [dreg:$0x1];
	s10 =	simm.s32 $0x4000  }
0x3: {  	s11 =	simm.s32 $0x5900;
	s18 =	simm.s32 $0xAD00;
	s19 =	simm.s32 $0xB900  }
0x4: {  	s20 =	simm.s32 $0xC500;
	s21 =	simm.s32 $0x50;
	s22 =	simm.s32 $0x14900  }
0x5: {  	s23 =	simm.s32 $0x1;
	s24 =	simm.s32 $0xD100;
	s28 =	simm.s32 $0xF500  }
0x6: {  	s29 =	simm.s32 $0x10100;
	s30 =	simm.s32 $0x10D00;
	s31 =	simm.s32 $0x11900  }
0x7: {  	s9 =	simm.s32 $0x2;
	s12 =	simm.s32 $0x3;
	s15 =	simm.s32 $0x0  }
0x8: {  	s1 =	sand.u32 $0x1, s1;
	s4 =	sshll.u32 s3, $0x1;
	s3 =	simm.s32 $0x0  }
0x9: {  	s5 =	sadd.s32 $0x37C00, s0;
	s6 =	sor.u32 s1, s4;
	[smem:$0x7FF] =	sst s3  }
0xa: {  	s1 =	ssub.s32 $0x2, s1;
	s4 =	sshll.u32 s6, $0xB;
	_ =	strace $0x80000047  }
0xb: {  	v0 =	vlaneseq.u32;
	s8 =	sshrl.u32 s1, $0x1;
	s6 =	smul.u32 $0x1900, s6;
	s7 =	sadd.s32 s4, s0  }
0xc: {  	vm0 =	vmmov $0xffff;
	v1 =	vor.u32 $0x10, v0;
	v2 =	vor.u32 $0x20, v0;
	s4 =	sadd.s32 $0x10A00, s0;
	s25 =	ssub.s32 s1, s8;
	s1 =	simm.s32 $0x12500  }
0xd: {  	v5 =	vshrl.u32 v0, $0x3;
	v3 =	vadd.s32 $0x22, v0;
	v4 =	vand.u32 $0x7, v0;
	s8 =	simm.s32 $0x17100;
	s26 =	sadd.s32 $0xA00, s7;
	s0 =	smax.u32 s25, $0x1  }
0xe: {  	v6 =	vor.u32 $0x8, v0;
	v7 =	vadd.s32 $0x54, v0;
	v8 =	vadd.s32 $0x64, v0;
	s25 =	simm.s32 $0xDD00;
	s7 =	simm.s32 $0x13D00;
	[dreg:$0x3] =	wrdreg s26  }
0xf: {  	v9 =	vor.u32 $0x70, v0;
	v10 =	vadd.s32 $0x1C, v0;
	v5 =	vmul.u32 $0x8, v5;
	[dreg:$0x4] =	wrdreg s0;
	s26 =	simm.s32 $0xE900;
	s0 =	simm.s32 $0x13100  }
.LBB2_1:
0x10: {  	[dreg:$0x5] =	wrdreg s15;
	s13 =	simm.s32 $0x0  }
0x11: {  	s14 =	rddreg [dreg:$0x3];
	s17 =	simm.s32 $0x5;
	v11 =	vor.u32 s13, v0  }
0x12: {  	[tilespmem:s3], [sflag:$0x5] =	stream.linear.gather [hbm4b:s14+s3], $0x4000, $0x38;
	[tilespmem:$0x19900] =	vst v63  }
0x13: {  	_ =	swait.ge [sflag:s17], $0x4000  }
0x14: {  	[sflag:s17] =	ssyncset.done $0x0  }
0x15: {  	[sflag:s17] =	ssyncadd.s32 $0xFFFFC000  }
0x16: {  	v12 =	vadd.s32 s3, v0;
	v11 =	vld.idx.msk [tilespmem:v11+s3+$0x0], $0xffff  }
0x17: {  	v13 =	vor.u32 s13, v1;
	_ =	sdelay $0x3  }
0x18: {  	s15 =	simm.s32 $0x10;
	[tilespmem:v12+s10+$0x0] =	vst.idx.msk $0xffff, v11  }
0x19: {  	v12 =	vadd.s32 s15, v0;
	v11 =	vld.idx.msk [tilespmem:v13+s3+$0x0], $0xffff  }
0x1a: {  	v13 =	vor.u32 s13, v2;
	_ =	sdelay $0x3  }
0x1b: {  	s16 =	simm.s32 $0x20;
	[tilespmem:v12+s10+$0x0] =	vst.idx.msk $0xffff, v11  }
0x1c: {  	v12 =	vadd.s32 s16, v0;
	v11 =	vld.idx.msk [tilespmem:v13+s3+$0x0], $0xffff  }
0x1d: {  	v13 =	vor.u32 s13, v3;
	_ =	sdelay $0x3  }
0x1e: {  	s17 =	simm.s32 $0x22;
	[tilespmem:v12+s10+$0x0] =	vst.idx.msk $0xffff, v11  }
0x1f: {  	s14 =	simm.s32 $0x0;
	s15 =	simm.s32 $0x2;
	s13 =	simm.s32 $0x80;
	v12 =	vadd.s32 s17, v0;
	v11 =	vld.idx.msk [tilespmem:v13+s3+$0x0], $0xffff  }
.LBB2_2:
0x20: {  	p0 =	sne.s32 s15, $0x7F;
	v13 =	vor.u32 s13, v0;
	_ =	sdelay $0x3  }
0x21: {  	[tilespmem:v12+s10+$0x0] =	vst.idx.msk $0xffff, v11  }
0x22: {  	s14 =	sadd.s32 $0x32, s14;
	v11 =	vld.idx.msk [tilespmem:v13+s3+$0x0], $0xffff  }
0x23: {  	v12 =	vadd.s32 s14, v0  }
0x24: {  	v13 =	vor.u32 s13, v1;
	_ =	sdelay $0x3  }
0x25: {  	[tilespmem:v12+s10+$0x0] =	vst.idx.msk $0xffff, v11  }
0x26: {  	s16 =	sadd.s32 $0x10, s14;
	v11 =	vld.idx.msk [tilespmem:v13+s3+$0x0], $0xffff  }
0x27: {  	v12 =	vadd.s32 s16, v0  }
0x28: {  	v13 =	vor.u32 s13, v2;
	_ =	sdelay $0x3  }
0x29: {  	[tilespmem:v12+s10+$0x0] =	vst.idx.msk $0xffff, v11  }
0x2a: {  	s16 =	sadd.s32 $0x20, s14;
	v11 =	vld.idx.msk [tilespmem:v13+s3+$0x0], $0xffff  }
0x2b: {  	v12 =	vadd.s32 s16, v0  }
0x2c: {  	v13 =	vor.u32 s13, v3;
	_ =	sdelay $0x1  }
.Ltmp0:
0x2d: {  	(pc) =	sbr.rel @p0 .LBB2_2-.Ltmp0, $4  }
0x2e: {  	_ = 	snop  }
0x2f: {  	[tilespmem:v12+s10+$0x0] =	vst.idx.msk $0xffff, v11  }
0x30: {  	s16 =	sadd.s32 $0x22, s14;
	v11 =	vld.idx.msk [tilespmem:v13+s3+$0x0], $0xffff  }
0x31: {  	s13 =	sshll.u32 s15, $0x7;
	s15 =	sadd.s32 $0x1, s15;
	v12 =	vadd.s32 s16, v0  }
0x32: {  	v13 =	vor.u32 s13, v0;
	_ =	sdelay $0x3  }
0x33: {  	s14 =	sadd.s32 $0x32, s14;
	[tilespmem:v12+s10+$0x0] =	vst.idx.msk $0xffff, v11  }
0x34: {  	v52 =	vadd.s32 s14, v0;
	v11 =	vld.idx.msk [tilespmem:v13+s3+$0x0], $0xffff  }
0x35: {  	v53 =	vor.u32 s13, v1;
	_ =	sdelay $0x3  }
0x36: {  	s15 =	sadd.s32 $0x10, s14;
	[tilespmem:v52+s10+$0x0] =	vst.idx.msk $0xffff, v11  }
0x37: {  	v54 =	vadd.s32 s15, v0;
	v11 =	vld.idx.msk [tilespmem:v53+s3+$0x0], $0xffff  }
0x38: {  	v55 =	vor.u32 s13, v2;
	_ =	sdelay $0x3  }
0x39: {  	s17 =	sadd.s32 $0x20, s14;
	[tilespmem:v54+s10+$0x0] =	vst.idx.msk $0xffff, v11  }
0x3a: {  	v56 =	vadd.s32 s17, v0;
	v11 =	vld.idx.msk [tilespmem:v55+s3+$0x0], $0xffff  }
0x3b: {  	v57 =	vor.u32 s13, v3;
	_ =	sdelay $0x3  }
0x3c: {  	s14 =	sadd.s32 $0x22, s14;
	[tilespmem:v56+s10+$0x0] =	vst.idx.msk $0xffff, v11  }
0x3d: {  	v58 =	vadd.s32 s14, v0;
	v11 =	vld.idx.msk [tilespmem:v57+s3+$0x0], $0xffff;
	_ =	sdelay $0x4  }
0x3e: {  	[tilespmem:v58+s10+$0x0] =	vst.idx.msk $0xffff, v11  }
0x3f: {  	v11 =	vld [tilespmem:$0x4000];
	_ =	sdelay $0x4  }
0x40: {  	v59 =	vshrl.u32 v11, $0x3  }
0x41: {  	v12 =	vmul.u32 $0x18, v59  }
0x42: {  	v11 =	vand.u32 $0x7, v11  }
0x43: {  	v11 =	vor.u32 v11, v12  }
0x44: {  	v12 =	vperm.xlane v11, v4;
	_ =	sdelay $0x1  }
0x45: {  	v11 =	vperm.xlane v11, v6;
	v12 =	vadd.s32 v5, v12;
	_ =	sdelay $0x1  }
0x46: {  	v11 =	vadd.s32 v5, v11;
	_ =	sdelay $0x1  }
0x47: {  	s13 =	simm.s32 $0x0  }
0x48: {  	[tilespmem:s11], [sflag:$0x1] =	stream.indirect_vreg.gather [hbm4b:s2+s13], $0x80, v12, vm0, $0xb8;
	[tilespmem:$0x19900] =	vst v63  }
0x49: {  	s15 =	simm.s32 $0x6500  }
0x4a: {  	[tilespmem:s15], [sflag:$0x1] =	stream.indirect_vreg.gather [hbm4b:s2+s13], $0x80, v11, vm0, $0xb8;
	[tilespmem:$0x19900] =	vst v63  }
0x4b: {  	v11 =	vld [tilespmem:$0x4010];
	_ =	sdelay $0x4  }
0x4c: {  	v60 =	vshrl.u32 v11, $0x3  }
0x4d: {  	v12 =	vmul.u32 $0x18, v60  }
0x4e: {  	v11 =	vand.u32 $0x7, v11  }
0x4f: {  	v11 =	vor.u32 v11, v12  }
0x50: {  	v12 =	vperm.xlane v11, v4;
	_ =	sdelay $0x1  }
0x51: {  	v11 =	vperm.xlane v11, v6;
	v12 =	vadd.s32 v5, v12;
	_ =	sdelay $0x1  }
0x52: {  	v11 =	vadd.s32 v5, v11;
	_ =	sdelay $0x1  }
0x53: {  	s16 =	simm.s32 $0x7100  }
0x54: {  	[tilespmem:s16], [sflag:$0x1] =	stream.indirect_vreg.gather [hbm4b:s2+s13], $0x80, v12, vm0, $0xb8;
	[tilespmem:$0x19900] =	vst v63  }
0x55: {  	s17 =	simm.s32 $0x7D00  }
0x56: {  	[tilespmem:s17], [sflag:$0x1] =	stream.indirect_vreg.gather [hbm4b:s2+s13], $0x80, v11, vm0, $0xb8;
	[tilespmem:$0x19900] =	vst v63  }
0x57: {  	v11 =	vld [tilespmem:$0x4020];
	_ =	sdelay $0x4  }
0x58: {  	v61 =	vshrl.u32 v11, $0x3  }
0x59: {  	v12 =	vmul.u32 $0x18, v61  }
0x5a: {  	v11 =	vand.u32 $0x7, v11  }
0x5b: {  	v11 =	vor.u32 v11, v12  }
0x5c: {  	v12 =	vperm.xlane v11, v4;
	_ =	sdelay $0x1  }
0x5d: {  	v11 =	vperm.xlane v11, v6;
	v12 =	vadd.s32 v5, v12;
	_ =	sdelay $0x1  }
0x5e: {  	v11 =	vadd.s32 v5, v11;
	_ =	sdelay $0x1  }
0x5f: {  	s15 =	simm.s32 $0x8900  }
0x60: {  	[tilespmem:s15], [sflag:$0x1] =	stream.indirect_vreg.gather [hbm4b:s2+s13], $0x80, v12, vm0, $0xb8;
	[tilespmem:$0x19900] =	vst v63  }
0x61: {  	s16 =	simm.s32 $0x9500  }
0x62: {  	[tilespmem:s16], [sflag:$0x1] =	stream.indirect_vreg.gather [hbm4b:s2+s13], $0x80, v11, vm0, $0xb8;
	[tilespmem:$0x19900] =	vst v63  }
0x63: {  	v11 =	vld [tilespmem:$0x4030];
	_ =	sdelay $0x4  }
0x64: {  	v62 =	vshrl.u32 v11, $0x3  }
0x65: {  	v12 =	vmul.u32 $0x18, v62  }
0x66: {  	v11 =	vand.u32 $0x7, v11  }
0x67: {  	v11 =	vor.u32 v11, v12  }
0x68: {  	v12 =	vperm.xlane v11, v4;
	_ =	sdelay $0x1  }
0x69: {  	v11 =	vperm.xlane v11, v6;
	v12 =	vadd.s32 v5, v12;
	_ =	sdelay $0x1  }
0x6a: {  	v11 =	vadd.s32 v5, v11;
	_ =	sdelay $0x1  }
0x6b: {  	s17 =	simm.s32 $0xA100  }
0x6c: {  	[tilespmem:s17], [sflag:$0x1] =	stream.indirect_vreg.gather [hbm4b:s2+s13], $0x80, v12, vm0, $0xb8;
	[tilespmem:$0x19900] =	vst v63  }
0x6d: {  	_ = 	snop  }
0x6e: {  	[tilespmem:s18], [sflag:$0x1] =	stream.indirect_vreg.gather [hbm4b:s2+s13], $0x80, v11, vm0, $0xb8;
	[tilespmem:$0x19900] =	vst v63  }
0x6f: {  	v11 =	vld [tilespmem:$0x4040];
	_ =	sdelay $0x4  }
0x70: {  	v63 =	vshrl.u32 v11, $0x3  }
0x71: {  	v12 =	vmul.u32 $0x18, v63  }
0x72: {  	v11 =	vand.u32 $0x7, v11  }
0x73: {  	v11 =	vor.u32 v11, v12  }
0x74: {  	v12 =	vperm.xlane v11, v4;
	_ =	sdelay $0x1  }
0x75: {  	v11 =	vperm.xlane v11, v6;
	v12 =	vadd.s32 v5, v12;
	_ =	sdelay $0x1  }
0x76: {  	v11 =	vadd.s32 v5, v11;
	_ =	sdelay $0x2  }
0x77: {  	[tilespmem:s19], [sflag:$0x1] =	stream.indirect_vreg.gather [hbm4b:s2+s13], $0x80, v12, vm0, $0xb8;
	[tilespmem:$0x19900] =	vst v63  }
0x78: {  	_ = 	snop  }
0x79: {  	[tilespmem:s20], [sflag:$0x1] =	stream.indirect_vreg.gather [hbm4b:s2+s13], $0x80, v11, vm0, $0xb8;
	[tilespmem:$0x19900] =	vst v63  }
0x7a: {  	s14 =	simm.s32 $0x0  }
0x7b: {  	[tilespmem:s22], [sflag:$0x1] =	stream.indirect.gather [hbm4b:s4+s21], $0x80, s10, s21, $0xb8;
	[tilespmem:$0x19900] =	vst v63  }
.LBB2_4:
0x7c: {  	_ =	swait.ge [sflag:s23], $0x5000  }
0x7d: {  	[sflag:s23] =	ssyncset.done $0x0  }
0x7e: {  	[sflag:s23] =	ssyncadd.s32 $0xFFFFB000  }
0x7f: {  	_ =	swait.ge [sflag:s23], $0x2800  }
0x80: {  	p0 =	seq.s32 s14, $0x0;
	[sflag:s23] =	ssyncset.done $0x0  }
0x81: {  	s15 =	simm.s32 @!p0 $0x4;
	[sflag:s23] =	ssyncadd.s32 $0xFFFFD800  }
0x82: {  	_ =	swait.ge @!p0 [sflag:s15], $0x7800  }
0x83: {  	s16 =	smul.u32 $0xA0, s14;
	[sflag:s15] =	ssyncset.done @!p0 $0x0  }
0x84: {  	[sflag:s15] =	ssyncadd.s32 @!p0 $0xFFFF8800  }
0x85: {  	v11 =	vld [tilespmem:s16+$0x4050];
	_ =	sdelay $0x4  }
0x86: {  	v12 =	vshrl.u32 v11, $0x3  }
0x87: {  	v12 =	vmul.u32 $0x18, v12  }
0x88: {  	v11 =	vand.u32 $0x7, v11  }
0x89: {  	v11 =	vor.u32 v11, v12  }
0x8a: {  	v12 =	vperm.xlane v11, v4;
	_ =	sdelay $0x1  }
0x8b: {  	v11 =	vperm.xlane v11, v6;
	v12 =	vadd.s32 v5, v12;
	_ =	sdelay $0x1  }
0x8c: {  	v11 =	vadd.s32 v5, v11;
	_ =	sdelay $0x2  }
0x8d: {  	[tilespmem:s24], [sflag:$0x2] =	stream.indirect_vreg.gather [hbm4b:s2+s13], $0x80, v12, vm0, $0xb8;
	[tilespmem:$0x19900] =	vst v63  }
0x8e: {  	_ = 	snop  }
0x8f: {  	[tilespmem:s25], [sflag:$0x2] =	stream.indirect_vreg.gather [hbm4b:s2+s13], $0x80, v11, vm0, $0xb8;
	[tilespmem:$0x19900] =	vst v63  }
0x90: {  	v11 =	vld [tilespmem:s16+$0x4060];
	_ =	sdelay $0x4  }
0x91: {  	v12 =	vshrl.u32 v11, $0x3  }
0x92: {  	v12 =	vmul.u32 $0x18, v12  }
0x93: {  	v11 =	vand.u32 $0x7, v11  }
0x94: {  	v11 =	vor.u32 v11, v12  }
0x95: {  	v12 =	vperm.xlane v11, v4;
	_ =	sdelay $0x1  }
0x96: {  	v11 =	vperm.xlane v11, v6;
	v12 =	vadd.s32 v5, v12;
	_ =	sdelay $0x1  }
0x97: {  	v11 =	vadd.s32 v5, v11;
	_ =	sdelay $0x2  }
0x98: {  	[tilespmem:s26], [sflag:$0x2] =	stream.indirect_vreg.gather [hbm4b:s2+s13], $0x80, v12, vm0, $0xb8;
	[tilespmem:$0x19900] =	vst v63  }
0x99: {  	_ = 	snop  }
0x9a: {  	[tilespmem:s28], [sflag:$0x2] =	stream.indirect_vreg.gather [hbm4b:s2+s13], $0x80, v11, vm0, $0xb8;
	[tilespmem:$0x19900] =	vst v63  }
0x9b: {  	v11 =	vld [tilespmem:s16+$0x4070];
	_ =	sdelay $0x4  }
0x9c: {  	v12 =	vshrl.u32 v11, $0x3  }
0x9d: {  	v12 =	vmul.u32 $0x18, v12  }
0x9e: {  	v11 =	vand.u32 $0x7, v11  }
0x9f: {  	v11 =	vor.u32 v11, v12  }
0xa0: {  	v12 =	vperm.xlane v11, v4;
	_ =	sdelay $0x1  }
0xa1: {  	v11 =	vperm.xlane v11, v6;
	v12 =	vadd.s32 v5, v12;
	_ =	sdelay $0x1  }
0xa2: {  	v11 =	vadd.s32 v5, v11;
	_ =	sdelay $0x2  }
0xa3: {  	[tilespmem:s29], [sflag:$0x2] =	stream.indirect_vreg.gather [hbm4b:s2+s13], $0x80, v12, vm0, $0xb8;
	[tilespmem:$0x19900] =	vst v63  }
0xa4: {  	_ = 	snop  }
0xa5: {  	[tilespmem:s30], [sflag:$0x2] =	stream.indirect_vreg.gather [hbm4b:s2+s13], $0x80, v11, vm0, $0xb8;
	[tilespmem:$0x19900] =	vst v63  }
0xa6: {  	v11 =	vld [tilespmem:s16+$0x4080];
	_ =	sdelay $0x4  }
0xa7: {  	v12 =	vshrl.u32 v11, $0x3  }
0xa8: {  	v12 =	vmul.u32 $0x18, v12  }
0xa9: {  	v11 =	vand.u32 $0x7, v11  }
0xaa: {  	v11 =	vor.u32 v11, v12  }
0xab: {  	v12 =	vperm.xlane v11, v4;
	_ =	sdelay $0x1  }
0xac: {  	v11 =	vperm.xlane v11, v6;
	v12 =	vadd.s32 v5, v12;
	_ =	sdelay $0x1  }
0xad: {  	v11 =	vadd.s32 v5, v11;
	_ =	sdelay $0x2  }
0xae: {  	[tilespmem:s31], [sflag:$0x2] =	stream.indirect_vreg.gather [hbm4b:s2+s13], $0x80, v12, vm0, $0xb8;
	[tilespmem:$0x19900] =	vst v63  }
0xaf: {  	_ = 	snop  }
0xb0: {  	[tilespmem:s1], [sflag:$0x2] =	stream.indirect_vreg.gather [hbm4b:s2+s13], $0x80, v11, vm0, $0xb8;
	[tilespmem:$0x19900] =	vst v63  }
0xb1: {  	v11 =	vld [tilespmem:s16+$0x4090];
	_ =	sdelay $0x4  }
0xb2: {  	v12 =	vshrl.u32 v11, $0x3  }
0xb3: {  	v12 =	vmul.u32 $0x18, v12  }
0xb4: {  	v11 =	vand.u32 $0x7, v11  }
0xb5: {  	v11 =	vor.u32 v11, v12  }
0xb6: {  	v12 =	vperm.xlane v11, v4;
	_ =	sdelay $0x1  }
0xb7: {  	v11 =	vperm.xlane v11, v6;
	v12 =	vadd.s32 v5, v12;
	_ =	sdelay $0x1  }
0xb8: {  	v11 =	vadd.s32 v5, v11  }
0xb9: {  	v13 =	vmov s13  }
0xba: {  	v14 =	vshll.u32 v13, $0x7  }
0xbb: {  	v13 =	vshrl.u32 v13, $0x3;
	[tilespmem:s0], [sflag:$0x2] =	stream.indirect_vreg.gather [hbm4b:s2+s13], $0x80, v12, vm0, $0xb8;
	v12 =	vor.u32 v7, v14;
	[tilespmem:$0x19900] =	vst v63  }
0xbc: {  	v13 =	vmul.u32 $0xC00, v13  }
0xbd: {  	[tilespmem:s7], [sflag:$0x2] =	stream.indirect_vreg.gather [hbm4b:s2+s13], $0x80, v11, vm0, $0xb8;
	v11 =	vand.u32 $0x380, v14;
	[tilespmem:$0x19900] =	vst v63  }
0xbe: {  	s17 =	sadd.s32 $0x4050, s16;
	v11 =	vor.u32 v11, v13  }
0xbf: {  	[tilespmem:s8], [sflag:$0x2] =	stream.indirect.gather [hbm4b:s4+s21], $0x80, s17, s21, $0xb8;
	v11 =	vadd.s32 $0x800, v11;
	[tilespmem:$0x19900] =	vst v63  }
0xc0: {  	v12 =	vld.idx.msk [tilespmem:v12+s22+$0x0], $0xffff;
	v13 =	vor.u32 v0, v11  }
0xc1: {  	v15 =	vor.u32 v8, v14;
	_ =	sdelay $0x3  }
0xc2: {  	[tilespmem:v13+s11+$0x0] =	vst.idx.msk $0xffff, v12  }
0xc3: {  	v13 =	vor.u32 v1, v11;
	v12 =	vld.idx.msk [tilespmem:v15+s22+$0x0], $0xffff  }
0xc4: {  	v14 =	vor.u32 v9, v14;
	_ =	sdelay $0x3  }
0xc5: {  	s17 =	simm.s32 $0x1;
	[tilespmem:v13+s11+$0x0] =	vst.idx.msk $0xffff, v12  }
0xc6: {  	s15 =	sadd.s32 $0x50, s16;
	v13 =	vmov s17;
	s17 =	simm.s32 $0x2;
	v12 =	vld.idx.msk [tilespmem:v14+s22+$0x0], $0xffff  }
.LBB2_5:
0xc7: {  	p0 =	sne.s32 s17, $0x4F;
	v14 =	vshll.u32 v13, $0x7;
	v11 =	vor.u32 v10, v11  }
0xc8: {  	v15 =	vor.u32 v7, v14  }
0xc9: {  	v13 =	vshrl.u32 v13, $0x3  }
0xca: {  	v13 =	vmul.u32 $0xC00, v13  }
0xcb: {  	v16 =	vand.u32 $0x380, v14  }
0xcc: {  	v13 =	vor.u32 v16, v13;
	[tilespmem:v11+s11+$0x0] =	vst.idx.msk $0xffff, v12  }
0xcd: {  	v11 =	vadd.s32 $0x800, v13;
	v12 =	vld.idx.msk [tilespmem:v15+s22+$0x0], $0xffff  }
0xce: {  	v13 =	vor.u32 v0, v11  }
0xcf: {  	v15 =	vor.u32 v8, v14;
	_ =	sdelay $0x3  }
0xd0: {  	[tilespmem:v13+s11+$0x0] =	vst.idx.msk $0xffff, v12  }
0xd1: {  	v12 =	vld.idx.msk [tilespmem:v15+s22+$0x0], $0xffff  }
0xd2: {  	v13 =	vor.u32 v1, v11  }
0xd3: {  	v14 =	vor.u32 v9, v14  }
.Ltmp1:
0xd4: {  	(pc) =	sbr.rel @p0 .LBB2_5-.Ltmp1, $3  }
0xd5: {  	_ =	sdelay $0x1  }
0xd6: {  	[tilespmem:v13+s11+$0x0] =	vst.idx.msk $0xffff, v12  }
0xd7: {  	v13 =	vmov s17;
	s17 =	sadd.s32 $0x1, s17;
	v12 =	vld.idx.msk [tilespmem:v14+s22+$0x0], $0xffff  }
0xd8: {  	v14 =	vshll.u32 v13, $0x7;
	v11 =	vor.u32 v10, v11  }
0xd9: {  	v61 =	vshrl.u32 v13, $0x3;
	v15 =	vor.u32 v7, v14  }
0xda: {  	v13 =	vmul.u32 $0xC00, v61  }
0xdb: {  	v16 =	vand.u32 $0x380, v14  }
0xdc: {  	v13 =	vor.u32 v16, v13  }
0xdd: {  	[tilespmem:v11+s11+$0x0] =	vst.idx.msk $0xffff, v12;
	v11 =	vadd.s32 $0x800, v13  }
0xde: {  	v12 =	vld.idx.msk [tilespmem:v15+s22+$0x0], $0xffff;
	v13 =	vor.u32 v0, v11  }
0xdf: {  	v62 =	vor.u32 v8, v14;
	_ =	sdelay $0x3  }
0xe0: {  	[tilespmem:v13+s11+$0x0] =	vst.idx.msk $0xffff, v12  }
0xe1: {  	v63 =	vor.u32 v1, v11;
	v12 =	vld.idx.msk [tilespmem:v62+s22+$0x0], $0xffff  }
0xe2: {  	v14 =	vor.u32 v9, v14;
	_ =	sdelay $0x3  }
0xe3: {  	[tilespmem:v63+s11+$0x0] =	vst.idx.msk $0xffff, v12  }
0xe4: {  	v11 =	vor.u32 v10, v11;
	v12 =	vld.idx.msk [tilespmem:v14+s22+$0x0], $0xffff  }
0xe5: {  	s16 =	sadd.s32 s6, s16  }
0xe6: {  	s16 =	sshrl.u32 s16, $0x3  }
0xe7: {  	s16 =	smul.u32 $0x180, s16;
	_ =	sdelay $0x1  }
0xe8: {  	s16 =	sadd.s32 s5, s16;
	[tilespmem:v11+s11+$0x0] =	vst.idx.msk $0xffff, v12  }
0xe9: {  	[hbm4b:s16+s3] =	stream.linear.scatter [tilespmem:s11], [sflag:$0x3], $0x7800, $0x38;
	[tilespmem:$0x19900] =	vst v63  }
0xea: {  	_ =	swait.ge [sflag:s9], $0x5000  }
0xeb: {  	[sflag:s9] =	ssyncset.done $0x0  }
0xec: {  	[sflag:s9] =	ssyncadd.s32 $0xFFFFB000  }
0xed: {  	p0 =	seq.s32 s14, $0x27;
	_ =	swait.ge [sflag:s9], $0x2800  }
.Ltmp2:
0xee: {  	[sflag:s9] =	ssyncset.done $0x0;
	(pc) =	sbr.rel @p0 .LBB2_8-.Ltmp2, $4  }
0xef: {  	[sflag:s9] =	ssyncadd.s32 $0xFFFFD800  }
0xf0: {  	_ =	swait.ge [sflag:s12], $0x7800  }
0xf1: {  	[sflag:s12] =	ssyncset.done $0x0  }
0xf2: {  	[sflag:s12] =	ssyncadd.s32 $0xFFFF8800  }
0xf3: {  	s16 =	smul.u32 $0x280, s14;
	_ =	sdelay $0x1  }
0xf4: {  	s16 =	sshra.s32 s16, $0x2  }
0xf5: {  	v11 =	vld [tilespmem:s16+$0x40A0];
	_ =	sdelay $0x4  }
0xf6: {  	v12 =	vshrl.u32 v11, $0x3  }
0xf7: {  	v12 =	vmul.u32 $0x18, v12  }
0xf8: {  	v11 =	vand.u32 $0x7, v11  }
0xf9: {  	v11 =	vor.u32 v11, v12  }
0xfa: {  	v12 =	vperm.xlane v11, v4;
	_ =	sdelay $0x1  }
0xfb: {  	v11 =	vperm.xlane v11, v6;
	v12 =	vadd.s32 v5, v12;
	_ =	sdelay $0x1  }
0xfc: {  	v11 =	vadd.s32 v5, v11;
	_ =	sdelay $0x2  }
0xfd: {  	[tilespmem:s11], [sflag:$0x1] =	stream.indirect_vreg.gather [hbm4b:s2+s3], $0x80, v12, vm0, $0xb8;
	[tilespmem:$0x19900] =	vst v63  }
0xfe: {  	s17 =	simm.s32 $0x6500  }
0xff: {  	[tilespmem:s17], [sflag:$0x1] =	stream.indirect_vreg.gather [hbm4b:s2+s3], $0x80, v11, vm0, $0xb8;
	[tilespmem:$0x19900] =	vst v63  }
0x100: {  	v11 =	vld [tilespmem:s16+$0x40B0];
	_ =	sdelay $0x4  }
0x101: {  	v60 =	vshrl.u32 v11, $0x3  }
0x102: {  	v12 =	vmul.u32 $0x18, v60  }
0x103: {  	v11 =	vand.u32 $0x7, v11  }
0x104: {  	v11 =	vor.u32 v11, v12  }
0x105: {  	v12 =	vperm.xlane v11, v4;
	_ =	sdelay $0x1  }
0x106: {  	v11 =	vperm.xlane v11, v6;
	v12 =	vadd.s32 v5, v12;
	_ =	sdelay $0x1  }
0x107: {  	v11 =	vadd.s32 v5, v11;
	_ =	sdelay $0x1  }
0x108: {  	s17 =	simm.s32 $0x7100  }
0x109: {  	[tilespmem:s17], [sflag:$0x1] =	stream.indirect_vreg.gather [hbm4b:s2+s3], $0x80, v12, vm0, $0xb8;
	[tilespmem:$0x19900] =	vst v63  }
0x10a: {  	s17 =	simm.s32 $0x7D00  }
0x10b: {  	[tilespmem:s17], [sflag:$0x1] =	stream.indirect_vreg.gather [hbm4b:s2+s3], $0x80, v11, vm0, $0xb8;
	[tilespmem:$0x19900] =	vst v63  }
0x10c: {  	v11 =	vld [tilespmem:s16+$0x40C0];
	_ =	sdelay $0x4  }
0x10d: {  	v61 =	vshrl.u32 v11, $0x3  }
0x10e: {  	v12 =	vmul.u32 $0x18, v61  }
0x10f: {  	v11 =	vand.u32 $0x7, v11  }
0x110: {  	v11 =	vor.u32 v11, v12  }
0x111: {  	v12 =	vperm.xlane v11, v4;
	_ =	sdelay $0x1  }
0x112: {  	v11 =	vperm.xlane v11, v6;
	v12 =	vadd.s32 v5, v12;
	_ =	sdelay $0x1  }
0x113: {  	v11 =	vadd.s32 v5, v11;
	_ =	sdelay $0x1  }
0x114: {  	s17 =	simm.s32 $0x8900  }
0x115: {  	[tilespmem:s17], [sflag:$0x1] =	stream.indirect_vreg.gather [hbm4b:s2+s3], $0x80, v12, vm0, $0xb8;
	[tilespmem:$0x19900] =	vst v63  }
0x116: {  	s17 =	simm.s32 $0x9500  }
0x117: {  	[tilespmem:s17], [sflag:$0x1] =	stream.indirect_vreg.gather [hbm4b:s2+s3], $0x80, v11, vm0, $0xb8;
	[tilespmem:$0x19900] =	vst v63  }
0x118: {  	v11 =	vld [tilespmem:s16+$0x40D0];
	_ =	sdelay $0x4  }
0x119: {  	v62 =	vshrl.u32 v11, $0x3  }
0x11a: {  	v12 =	vmul.u32 $0x18, v62  }
0x11b: {  	v11 =	vand.u32 $0x7, v11  }
0x11c: {  	v11 =	vor.u32 v11, v12  }
0x11d: {  	v12 =	vperm.xlane v11, v4;
	_ =	sdelay $0x1  }
0x11e: {  	v11 =	vperm.xlane v11, v6;
	v12 =	vadd.s32 v5, v12;
	_ =	sdelay $0x1  }
0x11f: {  	v11 =	vadd.s32 v5, v11;
	_ =	sdelay $0x1  }
0x120: {  	s17 =	simm.s32 $0xA100  }
0x121: {  	[tilespmem:s17], [sflag:$0x1] =	stream.indirect_vreg.gather [hbm4b:s2+s3], $0x80, v12, vm0, $0xb8;
	[tilespmem:$0x19900] =	vst v63  }
0x122: {  	_ = 	snop  }
0x123: {  	[tilespmem:s18], [sflag:$0x1] =	stream.indirect_vreg.gather [hbm4b:s2+s3], $0x80, v11, vm0, $0xb8;
	[tilespmem:$0x19900] =	vst v63  }
0x124: {  	v11 =	vld [tilespmem:s16+$0x40E0];
	_ =	sdelay $0x4  }
0x125: {  	v63 =	vshrl.u32 v11, $0x3  }
0x126: {  	v12 =	vmul.u32 $0x18, v63  }
0x127: {  	v11 =	vand.u32 $0x7, v11  }
0x128: {  	v11 =	vor.u32 v11, v12  }
0x129: {  	v12 =	vperm.xlane v11, v4;
	_ =	sdelay $0x1  }
0x12a: {  	v11 =	vperm.xlane v11, v6;
	v12 =	vadd.s32 v5, v12;
	_ =	sdelay $0x1  }
0x12b: {  	v11 =	vadd.s32 v5, v11;
	_ =	sdelay $0x2  }
0x12c: {  	[tilespmem:s19], [sflag:$0x1] =	stream.indirect_vreg.gather [hbm4b:s2+s3], $0x80, v12, vm0, $0xb8;
	[tilespmem:$0x19900] =	vst v63  }
0x12d: {  	_ = 	snop  }
0x12e: {  	[tilespmem:s20], [sflag:$0x1] =	stream.indirect_vreg.gather [hbm4b:s2+s3], $0x80, v11, vm0, $0xb8;
	[tilespmem:$0x19900] =	vst v63  }
0x12f: {  	s16 =	sadd.s32 $0x40A0, s16  }
0x130: {  	[tilespmem:s22], [sflag:$0x1] =	stream.indirect.gather [hbm4b:s4+s21], $0x80, s16, s21, $0xb8;
	[tilespmem:$0x19900] =	vst v63  }
.LBB2_8:
0x131: {  	s16 =	simm.s32 $0x0  }
0x132: {  	v11 =	vmov s16  }
0x133: {  	v12 =	vshll.u32 v11, $0x7  }
0x134: {  	v11 =	vshrl.u32 v11, $0x3;
	v13 =	vor.u32 v7, v12  }
0x135: {  	v11 =	vmul.u32 $0xC00, v11  }
0x136: {  	v14 =	vand.u32 $0x380, v12  }
0x137: {  	v11 =	vor.u32 v14, v11  }
0x138: {  	v11 =	vadd.s32 $0x800, v11  }
0x139: {  	v14 =	vor.u32 v0, v11;
	v13 =	vld.idx.msk [tilespmem:v13+s8+$0x0], $0xffff  }
0x13a: {  	v15 =	vor.u32 v8, v12;
	_ =	sdelay $0x3  }
0x13b: {  	[tilespmem:v14+s24+$0x0] =	vst.idx.msk $0xffff, v13  }
0x13c: {  	v14 =	vor.u32 v1, v11;
	v13 =	vld.idx.msk [tilespmem:v15+s8+$0x0], $0xffff  }
0x13d: {  	v12 =	vor.u32 v9, v12;
	_ =	sdelay $0x3  }
0x13e: {  	s17 =	simm.s32 $0x1;
	[tilespmem:v14+s24+$0x0] =	vst.idx.msk $0xffff, v13  }
0x13f: {  	s16 =	simm.s32 $0x2;
	v13 =	vmov s17;
	v12 =	vld.idx.msk [tilespmem:v12+s8+$0x0], $0xffff  }
.LBB2_9:
0x140: {  	p0 =	sne.s32 s16, $0x4F;
	v14 =	vshll.u32 v13, $0x7;
	v11 =	vor.u32 v10, v11  }
0x141: {  	v15 =	vor.u32 v7, v14  }
0x142: {  	v13 =	vshrl.u32 v13, $0x3  }
0x143: {  	v13 =	vmul.u32 $0xC00, v13  }
0x144: {  	v16 =	vand.u32 $0x380, v14  }
0x145: {  	v13 =	vor.u32 v16, v13;
	[tilespmem:v11+s24+$0x0] =	vst.idx.msk $0xffff, v12  }
0x146: {  	v11 =	vadd.s32 $0x800, v13;
	v12 =	vld.idx.msk [tilespmem:v15+s8+$0x0], $0xffff  }
0x147: {  	v13 =	vor.u32 v0, v11  }
0x148: {  	v15 =	vor.u32 v8, v14;
	_ =	sdelay $0x3  }
0x149: {  	[tilespmem:v13+s24+$0x0] =	vst.idx.msk $0xffff, v12  }
0x14a: {  	v12 =	vld.idx.msk [tilespmem:v15+s8+$0x0], $0xffff  }
0x14b: {  	v13 =	vor.u32 v1, v11  }
0x14c: {  	v14 =	vor.u32 v9, v14  }
.Ltmp3:
0x14d: {  	(pc) =	sbr.rel @p0 .LBB2_9-.Ltmp3, $3  }
0x14e: {  	_ =	sdelay $0x1  }
0x14f: {  	[tilespmem:v13+s24+$0x0] =	vst.idx.msk $0xffff, v12  }
0x150: {  	v13 =	vmov s16;
	s16 =	sadd.s32 $0x1, s16;
	v12 =	vld.idx.msk [tilespmem:v14+s8+$0x0], $0xffff  }
0x151: {  	v14 =	vshll.u32 v13, $0x7;
	v11 =	vor.u32 v10, v11  }
0x152: {  	v61 =	vshrl.u32 v13, $0x3;
	v15 =	vor.u32 v7, v14  }
0x153: {  	v13 =	vmul.u32 $0xC00, v61  }
0x154: {  	v16 =	vand.u32 $0x380, v14  }
0x155: {  	v13 =	vor.u32 v16, v13  }
0x156: {  	[tilespmem:v11+s24+$0x0] =	vst.idx.msk $0xffff, v12;
	v11 =	vadd.s32 $0x800, v13  }
0x157: {  	v12 =	vld.idx.msk [tilespmem:v15+s8+$0x0], $0xffff;
	v13 =	vor.u32 v0, v11  }
0x158: {  	v62 =	vor.u32 v8, v14;
	_ =	sdelay $0x3  }
0x159: {  	[tilespmem:v13+s24+$0x0] =	vst.idx.msk $0xffff, v12  }
0x15a: {  	v63 =	vor.u32 v1, v11;
	v12 =	vld.idx.msk [tilespmem:v62+s8+$0x0], $0xffff  }
0x15b: {  	v14 =	vor.u32 v9, v14;
	_ =	sdelay $0x3  }
0x15c: {  	[tilespmem:v63+s24+$0x0] =	vst.idx.msk $0xffff, v12  }
0x15d: {  	s14 =	sadd.s32 $0x1, s14;
	v11 =	vor.u32 v10, v11;
	v12 =	vld.idx.msk [tilespmem:v14+s8+$0x0], $0xffff  }
0x15e: {  	s15 =	sadd.s32 s6, s15;
	p0 =	sne.s32 s14, $0x28  }
.Ltmp4:
0x15f: {  	s15 =	sshrl.u32 s15, $0x3;
	(pc) =	sbr.rel @p0 .LBB2_4-.Ltmp4, $3  }
0x160: {  	s15 =	smul.u32 $0x180, s15;
	_ =	sdelay $0x1  }
0x161: {  	s15 =	sadd.s32 s5, s15;
	[tilespmem:v11+s24+$0x0] =	vst.idx.msk $0xffff, v12  }
0x162: {  	[hbm4b:s15+s3] =	stream.linear.scatter [tilespmem:s24], [sflag:$0x4], $0x7800, $0x38;
	[tilespmem:$0x19900] =	vst v63  }
0x163: {  	s14 =	simm.s32 $0x4  }
0x164: {  	_ =	swait.ge [sflag:s14], $0x7800  }
0x165: {  	s15 =	rddreg [dreg:$0x5]  }
0x166: {  	s13 =	rddreg [dreg:$0x4];
	s15 =	sadd.s32 $0x1, s15  }
0x167: {  	p0 =	sne.s32 s15, s13  }
.Ltmp5:
0x168: {  	_ = 	snop;
	(pc) =	sbr.rel @p0 .LBB2_1-.Ltmp5, $3  }
0x169: {  	_ =	sdelay $0x1  }
0x16a: {  	[sflag:s14] =	ssyncset.done $0x0  }
0x16b: {  	[sflag:s14] =	ssyncadd.s32 $0xFFFF8800  }
0x16c: {  	_ =	sfence.sel $0x180000  }
0x16d: {  	[bflag:$0x0] =	sbarrier.arrive $0xFFFF  }
0x16e: {  	_ =	strace $0x90000047  }
0x16f: {  	s0 =	stileid.u32;
	[bflag:$0x2] =	sbarrier.arrive $0xFFFF  }
0x170: {  	p0 =	sne.s32 s0, $0x0;
	s0 =	rddreg [dreg:$0x2]  }
0x171: {  	s0 =	sadd.s32 @!p0 $0x100000, s0  }
0x172: {  	[sflag:s0] =	ssyncadd.tile.s32 @!p0 $0x1;
	_ =	shalt  }
.Lfunc_end2:
_tile_overlayer_lowered:
.L_overlay_start_2:
0x173: {  	(tag) =	ssettag $0x2  }
0x174: {  	s0 =	rddreg [dreg:$0x0];
	s2 =	stileid.u32  }
0x175: {  	s1 =	rddreg [dreg:$0x1];
	p0 =	sne.s32 s2, $0x0  }
0x176: {  	s3 =	rddreg [dreg:$0x2];
	[bflag:$0x3] =	sbarrier.arrive $0xFFFF;
	s2 =	simm.s32 @!p0 $0x1C05  }
0x177: {  	[timem:s3], [sflag:s2] =	dma.local @!p0 [hbm:s0], s1  }
0x178: {  	s0 =	simm.s32 @!p0 $0x5  }
0x179: {  	_ =	swait.ge @!p0 [sflag:s0], s1  }
0x17a: {  	s1 =	ssub.s32 @!p0 $0x0, s1;
	[sflag:s0] =	ssyncset.done @!p0 $0x0  }
0x17b: {  	[sflag:s0] =	ssyncadd.s32 @!p0 s1  }
0x17c: {  	[bflag:$0x3] =	sbarrier.arrive $0xFFFF  }
0x17d: {  	_ =	shalt  }

// kernel: sparse-core-data-format-call.cloned.1.call-start
scs
called_computation_lowered:
.L_overlay_start_0:
0x0: {  	s2 =	sld [smem:$0x3FD9]  }
0x1: {  	s3 =	sld [smem:$0x3FFE];
	_ =	sdelay $0x1  }
0x2: {  	s1 =	srdreg.scid  }
0x3: {  	s0 =	sand.u32 $0x1, s1  }
0x4: {  	s18 =	sshll.u32 s0, $0xA;
	s2 =	sadd.s32 s3, s2  }
0x5: {  	s2 =	sadd.s32 s2, s18  }
0x6: {  	[smem:$0x3FC6] =	sst s2  }
0x7: {  	_ = 	snop  }
0x8: {  	s2 =	sld [smem:$0x3FD0];
	(tm) =	ssettm $0x1  }
0x9: {  	s19 =	sld [smem:$0x3FFB];
	_ =	sdelay $0x3  }
0xa: {  	_ =	strace s19  }
0xb: {  	s3 =	sld [smem:$0x3FFC];
	_ =	sdelay $0x3  }
0xc: {  	_ =	strace s3  }
0xd: {  	s3 =	sld [smem:$0x3FFD];
	_ =	sdelay $0x3  }
0xe: {  	_ =	strace s3  }
0xf: {  	_ =	strace $0x8FFFFFFF  }
0x10: {  	s20 =	sld [smem:$0x3FDB];
	_ =	sdelay $0x1  }
0x11: {  	s4 =	simm.s32 $_scs_section_size  }
0x12: {  	s5 =	simm.s32 $_size__tile_overlayer_lowered;
	s6 =	simm.s32 $_tile_overlayer_lowered  }
0x13: {  	s23 =	simm.s32 $0x1BFF;
	s22 =	sshll.u32 s6, $0x1;
	s3 =	sadd.s32 s4, s20  }
0x14: {  	s7 =	simm.s32 $0x0;
	s21 =	sshll.u32 s5, $0x1;
	s5 =	sadd.s32 s22, s3  }
0x15: {  	[timem:s7], [sflag:s23] =	dma.local [hbm:s5], s21  }
0x16: {  	_ =	swait.ge [sflag:s23], s21  }
0x17: {  	s4 =	ssub.s32 $0x0, s21;
	[sflag:s23] =	ssyncset.done $0x0  }
0x18: {  	[sflag:s23] =	ssyncadd.s32 s4;
	_ =	sdelay $0x1  }
0x19: {  	s24 =	simm.s32 $0x1B8B  }
0x1a: {  	_ =	swait.ge [sflag:s24], $0x1  }
0x1b: {  	[sflag:s24] =	ssyncset.done $0x0  }
0x1c: {  	s26 =	simm.s32 $0x1B8E;
	s25 =	sld [smem:$0x3FFE];
	[sflag:s24] =	ssyncadd.s32 $0xFFFFFFFF  }
0x1d: {  	s27 =	simm.s32 $execute0_lowered;
	[smem:$0x3FD2] =	sst s26  }
0x1e: {  	s5 =	sshll.u32 s27, $0x1;
	_ =	strace $0x80000049;
	[dreg:$0x1] =	wrdreg $0xFFFFFFFF  }
0x1f: {  	s28 =	simm.s32 $_size_execute0_lowered;
	s3 =	sadd.s32 s3, s5;
	[dreg:$0x0] =	wrdreg $0x0  }
0x20: {  	s5 =	sshll.u32 s28, $0x1;
	[dreg:$0x2] =	wrdreg s3  }
0x21: {  	[dreg:$0x3] =	wrdreg s5  }
0x22: {  	[dreg:$0x4] =	wrdreg $0xC0  }
0x23: {  	_ =	task [dreg:s7], $0x5FFFF  }
0x24: {  	[dreg:$0x1] =	wrdreg $0xFFFFFFFF  }
0x25: {  	[dreg:$0x0] =	wrdreg $0x60  }
0x26: {  	[dreg:$0x2] =	wrdreg s25  }
0x27: {  	[dreg:$0x3] =	wrdreg s2  }
0x28: {  	[dreg:$0x4] =	wrdreg $0x9  }
0x29: {  	_ =	task.clear_ibuf [dreg:s7], $0x5FFFF;
	_ =	strace $0x90000049  }
0x2a: {  	s29 =	simm.s32 $0x9;
	_ =	strace $0x8000004B  }
0x2b: {  	_ =	swait.ge [sflag:s29], $0x1  }
0x2c: {  	[sflag:s29] =	ssyncadd.s32 $0xFFFFFFFF  }
0x2d: {  	_ =	strace $0x9000004B  }
0x2e: {  	_ =	sfence  }
0x2f: {  	s30 =	sld [smem:$0x0];
	_ =	sdelay $0x2  }
0x30: {  	s31 =	sshll.u32 s1, $0xD;
	s1 =	sshrl.u32 s1, $0x2  }
0x31: {  	s3 =	sand.u32 $0x4000, s31;
	s1 =	sadd.s32 s1, s30  }
0x32: {  	s0 =	sor.u32 s3, s0;
	s1 =	sshll.u32 s1, $0x11  }
0x33: {  	s0 =	sor.u32 s1, s0  }
0x34: {  	s0 =	sadd.s32 $0x8F2B, s0  }
0x35: {  	[sflag:s0] =	ssyncadd.remote.s32 $0x1  }
0x36: {  	_ =	sfence.sel $0xFFFF  }
0x37: {  	[dreg:$0x0] =	wrdreg $0xFFFFFFFF;
	(pc) =	sbr.abs _section_cstart, $3  }
0x38: {  	[dreg:$0x1] =	wrdreg $0xFFFFFFFF  }
0x39: {  	_ =	task.clear_ibuf [dreg:s7], $0x2FFFF;
	_ =	strace $0x9FFFFFFF  }
0x3a: {  	(tm) =	ssettm $0x7FFFFFFF  }
0x3b: {  	_ =	shalt  }
tec
execute0_lowered:
.L_overlay_start_1:
0x0: {  	(tag) =	ssettag $0x1  }
0x1: {  	s0 =	srdreg.scid;
	s6 =	rddreg [dreg:$0x0]  }
0x2: {  	s3 =	rddreg [dreg:$0x1];
	s1 =	sshll.u32 s0, $0x4  }
0x3: {  	s5 =	simm.s32 $0x1;
	s0 =	stileid.u32;
	s1 =	sand.u32 $0x10, s1  }
0x4: {  	s31 =	simm.s32 $0x2;
	s16 =	simm.s32 $0x0;
	s1 =	sor.u32 s0, s1  }
0x5: {  	s8 =	simm.s32 $0x8000;
	s18 =	simm.s32 $0x0;
	s2 =	sshll.u32 s1, $0x7  }
0x6: {  	s17 =	simm.s32 $0x0;
	s9 =	simm.s32 $0x0;
	s4 =	ssub.s32 $0x1000, s2  }
0x7: {  	s10 =	simm.s32 $0x0;
	s11 =	simm.s32 $0x0;
	s30 =	sand.u32 $0xF80, s4  }
0x8: {  	s12 =	simm.s32 $0x0;
	s13 =	simm.s32 $0x0;
	p0 =	sne.s32 s30, $0x0  }
.Ltmp0:
0x9: {  	s7 =	sshrl.u32 s4, $0xC;
	s5 =	simm.s32 @!p0 $0x0;
	(pc) =	sbr.rel .LBB1_1-.Ltmp0, $4  }
0xa: {  	s15 =	simm.s32 $0x0;
	s1 =	rddreg [dreg:$0x2];
	s5 =	sadd.s32 s5, s7  }
0xb: {  	_ =	strace $0x8000004A;
	s4 =	simm.s32 $0x1;
	s5 =	smul.u32 $0x96, s5  }
0xc: {  	s6 =	sadd.s32 $0x997C00, s6;
	s14 =	smov.u32 s2;
	[sflag:s4] =	ssyncpa.u1 $0x0  }
0xd: {  	[sflag:s31] =	ssyncpa.u1 $0x0;
	p0 =	por $0x0, $0x0;
	s7 =	sor.u32 $0x1, s5  }
.LBB1_4:
0xe: {  	s23 =	sshra.s32 s23, $0x2;
	s30 =	sshll.u32 s9, $0xC  }
0xf: {  	p1 =	sgt.s32 s10, $0x31;
	s24 =	smov.u32 s10;
	s25 =	sshra.s32 s10, $0x1F  }
0x10: {  	s26 =	sshll.u32 s11, $0x3;
	s28 =	smov.u32 s11;
	s29 =	sshra.s32 s11, $0x1F  }
0x11: {  	s22 =	sadd.s32 s23, s22;
	s24 =	simm.s32 @!p1 $0x31;
	s25 =	sand.u32 s25, s10  }
0x12: {  	s23 =	sand.u32 $0xFFFF8000, s30;
	s27 =	sand.u32 $0xFFFFFC00, s26;
	p1 =	sgt.s32 s9, $0xB0  }
0x13: {  	s31 =	sand.u32 s29, s11;
	s29 =	sshll.u32 s9, $0x7;
	s30 =	sshra.s32 s9, $0x1F  }
0x14: {  	[tilespmem:s21+$0x2040 ss:$0x81] =	vst.msk $0xffff, v4;
	s24 =	ssub.s32 s24, s25;
	s23 =	sadd.s32 s27, s23;
	s27 =	smov.u32 s9  }
0x15: {  	[tilespmem:s21+$0x2850 ss:$0x81] =	vst.msk $0xffff, v3;
	s29 =	sand.u32 $0x380, s29;
	s25 =	sadd.s32 $0xFFFFFFCF, s24;
	s27 =	simm.s32 @!p1 $0xB0  }
0x16: {  	v5 =	vld [tilespmem:s20+$0xFFFFFFD0];
	[tilespmem:s21+$0x3060 ss:$0x81] =	vst.msk $0xffff, v2;
	p1 =	sgt.s32 s11, $0xF80;
	s23 =	sshrl.u32 s23, $0xC;
	s24 =	ssub.s32 $0x32, s24  }
0x17: {  	v58 =	vld [tilespmem:s20+$0xFFFFFFE0];
	[tilespmem:s21+$0x0 ss:$0x81] =	vst.msk $0xffff, v1;
	s28 =	simm.s32 @!p1 $0xF80;
	p1 =	sgt.s32 s25, $0x0;
	s21 =	smulhi.u32 $0xD79436, s23  }
0x18: {  	v59 =	vld [tilespmem:s20+$0xFFFFFFF0];
	s25 =	ssub.s32 s28, s31;
	s28 =	sand.u32 s30, s9;
	s24 =	simm.s32 @p1 $0x0  }
0x19: {  	v60 =	vld [tilespmem:s20+$0x0];
	s27 =	ssub.s32 s27, s28;
	s31 =	sadd.s32 $0xFFFFF080, s25;
	s25 =	ssub.s32 $0x1000, s25  }
0x1a: {  	v61 =	vld [tilespmem:s20+$0x10];
	[tilespmem:s22+$0x3870 ss:$0x81] =	vst.msk $0xffff, v0;
	s21 =	smul.u32 $0x130, s21;
	s28 =	sand.u32 $0x7, s11;
	p1 =	sgt.s32 s31, $0x7F  }
0x1b: {  	v62 =	vld [tilespmem:s20+$0x20];
	[tilespmem:s22+$0x810 ss:$0x81] =	vst.msk $0xffff, v5;
	s30 =	sadd.s32 $0xFFFFFF50, s27;
	s31 =	sand.u32 $0x78, s11;
	s25 =	simm.s32 @p1 $0x0  }
0x1c: {  	v63 =	vld [tilespmem:s20+$0xFFFFFFC0];
	[tilespmem:s22+$0x1020 ss:$0x81] =	vst.msk $0xffff, v58;
	p1 =	sgt.s32 s30, $0x7F;
	s30 =	sand.u32 $0xC00, s26;
	s24 =	smul.u32 s25, s24  }
0x1d: {  	[tilespmem:s22+$0x1830 ss:$0x81] =	vst.msk $0xffff, v59;
	s26 =	ssub.s32 $0x130, s27;
	s20 =	sor.u32 s31, s30;
	s31 =	smul.u32 $0x26000, s10  }
0x1e: {  	[tilespmem:s22+$0x2040 ss:$0x81] =	vst.msk $0xffff, v60;
	s21 =	ssub.s32 s23, s21;
	s26 =	simm.s32 @p1 $0x0;
	s20 =	sor.u32 s29, s20  }
0x1f: {  	[tilespmem:s22+$0x2850 ss:$0x81] =	vst.msk $0xffff, v61;
	s26 =	smul.u32 s26, s24;
	s20 =	sshrl.u32 s20, $0x3;
	s27 =	sadd.s32 s3, s31  }
0x20: {  	[tilespmem:s22+$0x3060 ss:$0x81] =	vst.msk $0xffff, v62;
	s21 =	sshll.u32 s21, $0x9;
	s29 =	sshll.u32 s28, $0x12;
	s20 =	sadd.s32 s20, s27  }
0x21: {  	[tilespmem:s22+$0x0 ss:$0x81] =	vst.msk $0xffff, v63;
	s31 =	sor.u32 $0x400, s29;
	s30 =	sand.u32 $0x3FFFFFFF, s26;
	s20 =	sadd.s32 s21, s20  }
0x22: {  	[hbm4b:s20+s31] =	stream.strided.scatter [tilespmem:s19], [sflag:$0x2], s30, s8, s31, $0x20;
	[tilespmem:$0x10100] =	vst v63  }
.LBB1_5:
0x23: {  	p1 =	slt.u32 s15, $0x2  }
0x24: {  	p2 =	sgt.s32 @!p1 s18, $0x31  }
0x25: {  	s19 =	smov.u32 s18;
	s20 =	sshra.s32 @!p1 s18, $0x1F;
	p2 =	por !p2, p1  }
0x26: {  	s18 =	sand.u32 @!p1 s20, s18;
	s19 =	simm.s32 @p2 $0x31  }
0x27: {  	p3 =	sgt.s32 @!p1 s16, $0xB0;
	s18 =	ssub.s32 @!p1 s19, s18  }
0x28: {  	p4 =	sgt.s32 @!p1 s17, $0xF80;
	s21 =	sshra.s32 @!p1 s17, $0x1F;
	s19 =	sadd.s32 @!p1 $0xFFFFFFCF, s18  }
0x29: {  	s20 =	smov.u32 s16;
	p2 =	sgt.s32 @!p1 s19, $0x0;
	s19 =	sshra.s32 @!p1 s16, $0x1F  }
0x2a: {  	p4 =	por !p4, p1;
	s16 =	sand.u32 @!p1 s19, s16;
	s19 =	smov.u32 s17  }
0x2b: {  	p3 =	por !p3, p1;
	s17 =	sand.u32 @!p1 s21, s17;
	s19 =	simm.s32 @p4 $0xF80  }
0x2c: {  	s20 =	simm.s32 @p3 $0xB0;
	s18 =	ssub.s32 @!p1 $0x32, s18;
	s17 =	ssub.s32 @!p1 s19, s17  }
0x2d: {  	p2 =	por !p2, p1;
	s16 =	ssub.s32 @!p1 s20, s16;
	s20 =	sadd.s32 @!p1 $0xFFFFF080, s17  }
0x2e: {  	s18 =	simm.s32 @!p2 $0x0;
	p3 =	sgt.s32 @!p1 s20, $0x7F  }
0x2f: {  	s19 =	sadd.s32 @!p1 $0xFFFFFF50, s16;
	s17 =	ssub.s32 @!p1 $0x1000, s17;
	p3 =	por !p3, p1  }
0x30: {  	p2 =	sgt.s32 @!p1 s19, $0x7F;
	s19 =	sadd.s32 $0x80, s12;
	s17 =	simm.s32 @!p3 $0x0  }
0x31: {  	p3 =	sgt.s32 s19, $0x12B;
	s17 =	smul.u32 @!p1 s17, s18;
	s18 =	simm.s32 $0x1  }
0x32: {  	s16 =	ssub.s32 @!p1 $0x130, s16;
	p2 =	por !p2, p1;
	s18 =	simm.s32 @!p3 $0x0  }
0x33: {  	s21 =	smov.u32 s14;
	s16 =	simm.s32 @!p2 $0x0;
	s20 =	sadd.s32 s18, s13  }
0x34: {  	s16 =	smul.u32 @!p1 s16, s17;
	s17 =	sadd.s32 $0x1000, s14;
	p2 =	sgt.s32 s20, $0x31  }
0x35: {  	p0 =	por !p0, !p0;
	s22 =	simm.s32 @!p1 $0x2;
	s21 =	smov.u32 @p2 s17  }
0x36: {  	s19 =	simm.s32 @p3 $0x0;
	s20 =	simm.s32 @p2 $0x0;
	p2 =	sgt.s32 s21, $0xFFF  }
0x37: {  	s18 =	smov.u32 s10;
	s21 =	smov.u32 @p2 s2;
	p2 =	sne.s32 s15, s7  }
.Ltmp1:
0x38: {  	s10 =	smov.u32 s13;
	s16 =	sand.u32 @!p1 $0x3FFFFFFF, s16;
	(pc) =	sbr.rel @!p2 .LBB1_6-.Ltmp1, $4  }
0x39: {  	s17 =	smov.u32 s11;
	s11 =	smov.u32 s14;
	_ =	swait.ge @!p1 [sflag:s22], s16  }
0x3a: {  	s23 =	ssub.s32 @!p1 $0x0, s16;
	s16 =	smov.u32 s9;
	s9 =	smov.u32 s12  }
0x3b: {  	s12 =	smov.u32 s19;
	s13 =	smov.u32 s20;
	[sflag:s22] =	ssyncset.done @!p1 $0x0  }
0x3c: {  	s15 =	sadd.s32 $0x1, s15;
	[sflag:s22] =	ssyncadd.s32 @!p1 s23;
	s14 =	smov.u32 s21  }
.LBB1_1:
0x3d: {  	p1 =	sge.u32 s15, s5  }
0x3e: {  	s19 =	sshrl.u32 @!p1 s13, $0x3  }
0x3f: {  	s20 =	sshll.u32 @!p1 s12, $0x3;
	s19 =	smul.u32 @!p1 $0xC00, s19  }
0x40: {  	s21 =	sshll.u32 @!p1 s13, $0x7;
	s20 =	sand.u32 @!p1 $0xFFFFFC00, s20  }
0x41: {  	s19 =	sadd.s32 @!p1 s19, s20;
	s20 =	sand.u32 @!p1 $0x380, s21  }
0x42: {  	s19 =	sor.u32 @!p1 s20, s19  }
0x43: {  	s20 =	sand.u32 @!p1 $0x7F, s12;
	s21 =	smulhi.u32 @!p1 $0xAAAAAAAB, s19  }
0x44: {  	s19 =	sor.u32 @!p1 s20, s19  }
0x45: {  	s20 =	smulhi.u32 @!p1 $0xAAAAAAAB, s19;
	s21 =	sshrl.u32 @!p1 s21, $0x8  }
0x46: {  	s22 =	smulhi.u32 @!p1 $0x4924925, s21;
	_ =	sdelay $0x1  }
0x47: {  	s20 =	sshrl.u32 @!p1 s20, $0x8;
	s22 =	smul.u32 @!p1 $0x38, s22  }
0x48: {  	s31 =	sadd.s32 $0xFFFFFFFF, s15;
	s20 =	smul.u32 @!p1 $0x180, s20  }
0x49: {  	s23 =	sxor.u32 @!p1 $0xFFFFFFFF, s15;
	s21 =	ssub.s32 @!p1 s21, s22;
	s22 =	smul.u32 @!p1 $0xA80, s14  }
0x4a: {  	s23 =	sshll.u32 @!p1 s23, $0xE;
	s19 =	ssub.s32 @!p1 s19, s20;
	s20 =	smul.u32 @!p1 $0x30, s21  }
0x4b: {  	s21 =	sand.u32 @!p1 $0x4000, s23;
	s23 =	sand.u32 @!p1 $0x7, s19;
	s22 =	sadd.s32 @!p1 s6, s22  }
0x4c: {  	s19 =	sshrl.u32 @!p1 s19, $0x3;
	s20 =	sadd.s32 @!p1 s20, s22;
	s22 =	sshll.u32 @!p1 s23, $0x12  }
0x4d: {  	s19 =	sadd.s32 @!p1 s19, s20;
	s20 =	sor.u32 @!p1 $0x80, s22;
	s22 =	simm.s32 @!p1 $0x5400  }
0x4e: {  	[tilespmem:s21], [sflag:$0x1] =	stream.strided.gather @!p1 [hbm4b:s19+s20], $0x4000, s22, s20, $0x38;
	[tilespmem:$0x10100] =	vst v63  }
0x4f: {  	p1 =	sge.u32 s31, s5  }
.Ltmp2:
0x50: {  	_ = 	snop;
	(pc) =	sbr.rel @p1 .LBB1_5-.Ltmp2, $1  }
0x51: {  	_ =	sdelay $0x3  }
0x52: {  	s19 =	simm.s32 $0x1  }
0x53: {  	_ =	swait.ge [sflag:s4], $0x4000;
	s19 =	simm.s32 @!p0 $0x0  }
0x54: {  	[sflag:s4] =	ssyncset.done $0x0;
	s20 =	sshll.u32 s19, $0xE  }
0x55: {  	[sflag:s4] =	ssyncadd.s32 $0xFFFFC000;
	s20 =	sor.u32 $0x40, s20  }
0x56: {  	s19 =	smul.u32 $0x10200, s19;
	v0 =	vld [tilespmem:s20+$0x30]  }
0x57: {  	v1 =	vld [tilespmem:s20+$0xFFFFFFD0]  }
0x58: {  	s19 =	sshrl.u32 s19, $0x2;
	v5 =	vld [tilespmem:s20+$0xFFFFFFE0]  }
0x59: {  	v6 =	vld [tilespmem:s20+$0xFFFFFFF0];
	s22 =	sor.u32 $0x8000, s19  }
0x5a: {  	s31 =	sand.u32 $0x1, s15;
	v4 =	vld [tilespmem:s20+$0x0];
	s21 =	sadd.s32 $0x0, s22  }
0x5b: {  	v3 =	vld [tilespmem:s20+$0x10];
	s19 =	smul.u32 $0x10200, s31;
	[tilespmem:s21+$0x3870 ss:$0x81] =	vst.msk $0xffff, v0  }
0x5c: {  	v2 =	vld [tilespmem:s20+$0x20];
	[tilespmem:s21+$0x810 ss:$0x81] =	vst.msk $0xffff, v1  }
0x5d: {  	s19 =	sshrl.u32 s19, $0x2;
	v1 =	vld [tilespmem:s20+$0xFFFFFFC0];
	[tilespmem:s21+$0x1020 ss:$0x81] =	vst.msk $0xffff, v5;
	s20 =	sadd.s32 $0x80, s20  }
0x5e: {  	s23 =	simm.s32 $0x4;
	s24 =	simm.s32 $0x8;
	s19 =	sor.u32 $0x8000, s19;
	[tilespmem:s21+$0x1830 ss:$0x81] =	vst.msk $0xffff, v6;
	v0 =	vld [tilespmem:s20+$0x30]  }
.LBB1_3:
0x5f: {  	p1 =	sne.s32 s24, $0x1FC;
	v5 =	vld [tilespmem:s20+$0xFFFFFFD0];
	[tilespmem:s21+$0x2040 ss:$0x81] =	vst.msk $0xffff, v4  }
0x60: {  	v6 =	vld [tilespmem:s20+$0xFFFFFFE0];
	[tilespmem:s21+$0x2850 ss:$0x81] =	vst.msk $0xffff, v3  }
0x61: {  	s25 =	sshra.s32 s23, $0x2;
	s23 =	smov.u32 s24;
	v7 =	vld [tilespmem:s20+$0xFFFFFFF0];
	[tilespmem:s21+$0x3060 ss:$0x81] =	vst.msk $0xffff, v2  }
.Ltmp3:
0x62: {  	v4 =	vld [tilespmem:s20+$0x0];
	[tilespmem:s21+$0x0 ss:$0x81] =	vst.msk $0xffff, v1;
	s21 =	sadd.s32 s25, s22;
	(pc) =	sbr.rel @p1 .LBB1_3-.Ltmp3, $4  }
0x63: {  	v3 =	vld [tilespmem:s20+$0x10];
	[tilespmem:s21+$0x3870 ss:$0x81] =	vst.msk $0xffff, v0  }
0x64: {  	[tilespmem:s21+$0x810 ss:$0x81] =	vst.msk $0xffff, v5;
	v2 =	vld [tilespmem:s20+$0x20]  }
0x65: {  	v1 =	vld [tilespmem:s20+$0xFFFFFFC0];
	[tilespmem:s21+$0x1020 ss:$0x81] =	vst.msk $0xffff, v6;
	s20 =	sadd.s32 $0x80, s20  }
0x66: {  	s24 =	sadd.s32 $0x4, s24;
	v0 =	vld [tilespmem:s20+$0x30];
	[tilespmem:s21+$0x1830 ss:$0x81] =	vst.msk $0xffff, v7  }
.Ltmp4:
0x67: {  	_ = 	snop;
	(pc) =	sbr.rel .LBB1_4-.Ltmp4, $1  }
0x68: {  	_ =	sdelay $0x3  }
.LBB1_6:
0x69: {  	_ =	sfence.sel $0x180000  }
0x6a: {  	s2 =	simm.s32 $0x1;
	[bflag:$0x0] =	sbarrier.arrive $0xFFFF  }
0x6b: {  	s31 =	simm.s32 $0x2;
	[sflag:s2] =	ssyncpa.u1 $0x1  }
0x6c: {  	[sflag:s31] =	ssyncpa.u1 $0x1  }
0x6d: {  	p0 =	sne.s32 s0, $0x0;
	_ =	strace $0x9000004A  }
0x6e: {  	s0 =	sadd.s32 @!p0 $0x100000, s1;
	[bflag:$0x2] =	sbarrier.arrive $0xFFFF  }
0x6f: {  	[sflag:s0] =	ssyncadd.tile.s32 @!p0 $0x1;
	_ =	shalt  }
.Lfunc_end1:
_tile_overlayer_lowered:
.L_overlay_start_2:
0x70: {  	(tag) =	ssettag $0x2  }
0x71: {  	s0 =	rddreg [dreg:$0x0];
	s2 =	stileid.u32  }
0x72: {  	s1 =	rddreg [dreg:$0x1];
	p0 =	sne.s32 s2, $0x0  }
0x73: {  	s3 =	rddreg [dreg:$0x2];
	[bflag:$0x3] =	sbarrier.arrive $0xFFFF;
	s2 =	simm.s32 @!p0 $0x1C01  }
0x74: {  	[timem:s3], [sflag:s2] =	dma.local @!p0 [hbm:s0], s1  }
0x75: {  	s0 =	simm.s32 @!p0 $0x1  }
0x76: {  	_ =	swait.ge @!p0 [sflag:s0], s1  }
0x77: {  	s1 =	ssub.s32 @!p0 $0x0, s1;
	[sflag:s0] =	ssyncset.done @!p0 $0x0  }
0x78: {  	[sflag:s0] =	ssyncadd.s32 @!p0 s1  }
0x79: {  	[bflag:$0x3] =	sbarrier.arrive $0xFFFF  }
0x7a: {  	_ =	shalt  }

</sc_bundles>
